<compile_context>
chip_gen: v7x
topology: tpu7x:2x2x1
jax: 0.10.2.dev20260603
libtpu: 0.0.44.dev20260713+nightly
codegen_flags: <defaults>
</compile_context>

<pallas_src>
import functools

import jax
import jax.numpy as jnp
from jax import lax
from jax.experimental import pallas as pl
from jax.experimental.pallas import tpu as pltpu
from jax.experimental.pallas import tpu_sc as plsc

_B, _S, _D = 4, 8192, 1024
_NW = 32
_ROWS_PER_W = (_B * _S) // _NW
_C = 32
_NCHUNK = _ROWS_PER_W // _C
_NV = _D // 16


def _sc_body(in_hbm, pos_hbm, seg_hbm, out_hbm, inb, posb, segb, sem):
    cid = lax.axis_index("c")
    sid = lax.axis_index("s")
    wid = sid * 2 + cid
    b = wid // 8
    s_base = (wid % 8) * _ROWS_PER_W

    pltpu.sync_copy(seg_hbm, segb)

    def chunk(it, carry):
        s0 = s_base + it * _C
        cp_in = pltpu.async_copy(in_hbm.at[b, pl.ds(s0, _C), :], inb, sem)
        cp_pos = pltpu.async_copy(pos_hbm.at[pl.ds(s0, _C), :], posb, sem)
        cp_in.wait()
        cp_pos.wait()

        ws = [
            jnp.full((16,), jnp.where(s0 + r > _S // 2, 1.0, 0.0), jnp.float32)
            for r in range(_C)
        ]

        def vloop(v, carry2):
            dsv = pl.ds(v * 16, 16)
            s0v = segb[0, dsv]
            dv = segb[1, dsv] - s0v
            for r in range(_C):
                inb[r, dsv] = inb[r, dsv] + posb[r, dsv] + (s0v + ws[r] * dv)
            return carry2

        lax.fori_loop(0, _NV, vloop, 0, unroll=False)
        pltpu.sync_copy(inb, out_hbm.at[b, pl.ds(s0, _C), :])
        return carry

    lax.fori_loop(0, _NCHUNK, chunk, 0, unroll=False)


def kernel(input_embedding, position_table, segment_table):
    mesh = plsc.VectorSubcoreMesh(core_axis_name="c", subcore_axis_name="s")
    fn = pl.kernel(
        _sc_body,
        out_type=jax.ShapeDtypeStruct((_B, _S, _D), jnp.float32),
        mesh=mesh,
        scratch_types=[
            pltpu.VMEM((_C, _D), jnp.float32),
            pltpu.VMEM((_C, _D), jnp.float32),
            pltpu.VMEM((2, _D), jnp.float32),
            pltpu.SemaphoreType.DMA,
        ],
    )
    return fn(input_embedding, position_table[:_S], segment_table)

# --- scband reference (transcript-rebuilt; emitter-appended) ---
"""Pipeline reference for scband-transformer-embeddings-23579370455107 (READ-ONLY COPY).

The authoritative reference and input builder live on the scoring server;
editing this copy changes nothing except your own understanding.
"""

import jax, jax.numpy as jnp
import numpy as np

MAX_POS_LEN = 8192
TYPE_VOCAB_SIZE = 2
D_MODEL = 1024
BATCH = 4
SEQ_LEN = 8192


def setup_inputs(seed: int = 0) -> dict:
    key = jax.random.key(seed)
    k1, k2, k3 = jax.random.split(key, 3)
    input_embedding = jax.random.normal(k1, (BATCH, SEQ_LEN, D_MODEL), dtype=jnp.float32)
    # learned parameters (match nn.Embedding default init N(0,1))
    position_table = jax.random.normal(k2, (MAX_POS_LEN, D_MODEL), dtype=jnp.float32)
    segment_table = jax.random.normal(k3, (TYPE_VOCAB_SIZE, D_MODEL), dtype=jnp.float32)
    return {
        "input_embedding": input_embedding,
        "position_table": position_table,
        "segment_table": segment_table,
    }


def reference(input_embedding, position_table, segment_table):
    seq_len = input_embedding.shape[1]
    # segment ids: 0 for first half (inclusive of midpoint), 1 afterwards
    segment_ids = (jnp.arange(seq_len) > (seq_len // 2)).astype(jnp.int32)[None, :]
    segment_type_embeddings = jnp.take(segment_table, segment_ids, axis=0)
    position_ids = jnp.arange(MAX_POS_LEN)[None, :seq_len]
    position_embeddings = jnp.take(position_table, position_ids, axis=0)
    return input_embedding + segment_type_embeddings + position_embeddings

if __name__ == "__main__":
    import jax
    _d = setup_inputs()
    print(jax.jit(kernel)(*tuple(_d.values())))

</pallas_src>

<mosaic_0001>
#map = affine_map<(d0, d1) -> (0, 0, 0)>
#map1 = affine_map<(d0, d1) -> (0, 0)>
module attributes {stable_mosaic.version = 14 : i64} {
  func.func @_sc_body(%arg0: i32, %arg1: i32, %arg2: memref<4x8192x1024xf32, #tpu.memory_space<hbm>>, %arg3: memref<8192x1024xf32, #tpu.memory_space<hbm>>, %arg4: memref<2x1024xf32, #tpu.memory_space<hbm>>, %arg5: memref<4x8192x1024xf32, #tpu.memory_space<hbm>>, %arg6: memref<32x1024xf32, #tpu.memory_space<vmem>>, %arg7: memref<32x1024xf32, #tpu.memory_space<vmem>>, %arg8: memref<2x1024xf32, #tpu.memory_space<vmem>>, %arg9: memref<!tpu.dma_semaphore, #tpu.memory_space<semaphore_mem>>) attributes {dimension_semantics = [#tpu.dimension_semantics<core_parallel>, #tpu.dimension_semantics<subcore_parallel>], iteration_bounds = array<i64: 2, 16>, scalar_prefetch = 0 : i64, scratch_operands = 4 : i64, tpu.core_type = #tpu.core_type<sc_vector_subcore>, window_params = [{transform_indices = #map}, {transform_indices = #map1}, {transform_indices = #map1}, {transform_indices = #map}]} {
    %mul3A = arith.constant 2 : i32
    %mul3A_0 = arith.muli %arg1, %mul3A : i32
    %add3A = arith.addi %mul3A_0, %arg0 : i32
    %jit3A = arith.constant 8 : i32
    %div3A = arith.divsi %add3A, %jit3A : i32
    %sign3A = arith.constant 0 : i32
    %sign3A_1 = arith.cmpi sgt, %add3A, %sign3A : i32
    %sign3A_2 = arith.extui %sign3A_1 : i1 to i32
    %sign3A_3 = arith.constant 0 : i32
    %sign3A_4 = arith.cmpi slt, %add3A, %sign3A_3 : i32
    %sign3A_5 = arith.extui %sign3A_4 : i1 to i32
    %sign3A_6 = arith.subi %sign3A_2, %sign3A_5 : i32
    %sign3A_7 = arith.constant 0 : i32
    %sign3A_8 = arith.cmpi sgt, %jit3A, %sign3A_7 : i32
    %sign3A_9 = arith.extui %sign3A_8 : i1 to i32
    %sign3A_10 = arith.constant 0 : i32
    %sign3A_11 = arith.cmpi slt, %jit3A, %sign3A_10 : i32
    %sign3A_12 = arith.extui %sign3A_11 : i1 to i32
    %sign3A_13 = arith.subi %sign3A_9, %sign3A_12 : i32
    %ne3A = arith.cmpi ne, %sign3A_6, %sign3A_13 : i32
    %rem3A = arith.remsi %add3A, %jit3A : i32
    %ne3A_14 = arith.constant 0 : i32
    %ne3A_15 = arith.cmpi ne, %rem3A, %ne3A_14 : i32
    %and3A = arith.andi %ne3A, %ne3A_15 : i1
    %sub3A = arith.constant 1 : i32
    %sub3A_16 = arith.subi %div3A, %sub3A : i32
    %select_n3A = arith.select %and3A, %sub3A_16, %div3A : i32
    %jit3A_17 = arith.constant 8 : i32
    %eq3A = arith.constant 0 : i32
    %eq3A_18 = arith.cmpi eq, %jit3A_17, %eq3A : i32
    %jit3A_19 = arith.constant 1 : i32
    %select_n3A_20 = arith.select %eq3A_18, %jit3A_19, %jit3A_17 : i32
    %rem3A_21 = arith.remsi %add3A, %select_n3A_20 : i32
    %ne3A_22 = arith.constant 0 : i32
    %ne3A_23 = arith.cmpi ne, %rem3A_21, %ne3A_22 : i32
    %lt3A = arith.constant 0 : i32
    %lt3A_24 = arith.cmpi slt, %rem3A_21, %lt3A : i32
    %lt3A_25 = arith.constant 0 : i32
    %lt3A_26 = arith.cmpi slt, %select_n3A_20, %lt3A_25 : i32
    %ne3A_27 = arith.xori %lt3A_24, %lt3A_26 : i1
    %and3A_28 = arith.andi %ne3A_27, %ne3A_23 : i1
    %add3A_29 = arith.addi %rem3A_21, %select_n3A_20 : i32
    %select_n3A_30 = arith.select %and3A_28, %add3A_29, %rem3A_21 : i32
    %mul3A_31 = arith.constant 1024 : i32
    %mul3A_32 = arith.muli %select_n3A_30, %mul3A_31 : i32
    "tpu.region"() ({
      %run_scoped3A = tpu.sem_alloc : memref<!tpu.dma_semaphore, #tpu.memory_space<semaphore_mem>>
      tpu.enqueue_dma source(%arg4 : memref<2x1024xf32, #tpu.memory_space<hbm>>) target(%arg8 : memref<2x1024xf32, #tpu.memory_space<vmem>>) target_semaphore(%run_scoped3A : memref<!tpu.dma_semaphore, #tpu.memory_space<semaphore_mem>>)
      tpu.wait_dma2 semaphore(%run_scoped3A : memref<!tpu.dma_semaphore, #tpu.memory_space<semaphore_mem>>) src(%arg4 : memref<2x1024xf32, #tpu.memory_space<hbm>>) dst(%arg8 : memref<2x1024xf32, #tpu.memory_space<vmem>>)
      tpu.yield
    }) : () -> ()
    %scan3A = arith.constant 0 : i32
    %scan3A_33 = arith.constant 0 : i32
    %scan3A_34 = arith.constant 32 : i32
    %scan3A_35 = arith.addi %scan3A_33, %scan3A_34 : i32
    %scan3A_36 = arith.constant 1 : i32
    scf.for %scan3A_38 = %scan3A_33 to %scan3A_35 step %scan3A_36  : i32 {
      %mul3A_39 = arith.constant 32 : i32
      %mul3A_40 = arith.muli %scan3A_38, %mul3A_39 : i32
      %add3A_41 = arith.addi %mul3A_32, %mul3A_40 : i32
      %dma_start3A = arith.constant 0 : i32
      %dma_start3A_42 = tpu.memref_slice %arg2[%select_n3A, %add3A_41, %dma_start3A] : memref<4x8192x1024xf32, #tpu.memory_space<hbm>> -> memref<1x32x1024xf32, #tpu.memory_space<hbm>>
      %dma_start3A_43 = tpu.memref_squeeze %dma_start3A_42 : memref<1x32x1024xf32, #tpu.memory_space<hbm>> -> memref<32x1024xf32, #tpu.memory_space<hbm>>
      %dma_start3A_44 = arith.constant 0 : i32
      %dma_start3A_45 = tpu.memref_slice %arg2[%select_n3A, %add3A_41, %dma_start3A_44] : memref<4x8192x1024xf32, #tpu.memory_space<hbm>> -> memref<1x32x1024xf32, #tpu.memory_space<hbm>>
      %dma_start3A_46 = tpu.memref_squeeze %dma_start3A_45 : memref<1x32x1024xf32, #tpu.memory_space<hbm>> -> memref<32x1024xf32, #tpu.memory_space<hbm>>
      tpu.enqueue_dma source(%dma_start3A_46 : memref<32x1024xf32, #tpu.memory_space<hbm>>) target(%arg6 : memref<32x1024xf32, #tpu.memory_space<vmem>>) target_semaphore(%arg9 : memref<!tpu.dma_semaphore, #tpu.memory_space<semaphore_mem>>)
      %dma_start3A_47 = arith.constant 0 : i32
      %dma_start3A_48 = tpu.memref_slice %arg3[%add3A_41, %dma_start3A_47] : memref<8192x1024xf32, #tpu.memory_space<hbm>> -> memref<32x1024xf32, #tpu.memory_space<hbm>>
      %dma_start3A_49 = arith.constant 0 : i32
      %dma_start3A_50 = tpu.memref_slice %arg3[%add3A_41, %dma_start3A_49] : memref<8192x1024xf32, #tpu.memory_space<hbm>> -> memref<32x1024xf32, #tpu.memory_space<hbm>>
      tpu.enqueue_dma source(%dma_start3A_50 : memref<32x1024xf32, #tpu.memory_space<hbm>>) target(%arg7 : memref<32x1024xf32, #tpu.memory_space<vmem>>) target_semaphore(%arg9 : memref<!tpu.dma_semaphore, #tpu.memory_space<semaphore_mem>>)
      %dma_wait3A = arith.constant 0 : i32
      %dma_wait3A_51 = tpu.memref_slice %arg2[%select_n3A, %add3A_41, %dma_wait3A] : memref<4x8192x1024xf32, #tpu.memory_space<hbm>> -> memref<1x32x1024xf32, #tpu.memory_space<hbm>>
      %dma_wait3A_52 = tpu.memref_squeeze %dma_wait3A_51 : memref<1x32x1024xf32, #tpu.memory_space<hbm>> -> memref<32x1024xf32, #tpu.memory_space<hbm>>
      %dma_wait3A_53 = arith.constant 0 : i32
      %dma_wait3A_54 = tpu.memref_slice %arg2[%select_n3A, %add3A_41, %dma_wait3A_53] : memref<4x8192x1024xf32, #tpu.memory_space<hbm>> -> memref<1x32x1024xf32, #tpu.memory_space<hbm>>
      %dma_wait3A_55 = tpu.memref_squeeze %dma_wait3A_54 : memref<1x32x1024xf32, #tpu.memory_space<hbm>> -> memref<32x1024xf32, #tpu.memory_space<hbm>>
      tpu.wait_dma2 semaphore(%arg9 : memref<!tpu.dma_semaphore, #tpu.memory_space<semaphore_mem>>) src(%dma_wait3A_55 : memref<32x1024xf32, #tpu.memory_space<hbm>>) dst(%arg6 : memref<32x1024xf32, #tpu.memory_space<vmem>>)
      %dma_wait3A_56 = arith.constant 0 : i32
      %dma_wait3A_57 = tpu.memref_slice %arg3[%add3A_41, %dma_wait3A_56] : memref<8192x1024xf32, #tpu.memory_space<hbm>> -> memref<32x1024xf32, #tpu.memory_space<hbm>>
      %dma_wait3A_58 = arith.constant 0 : i32
      %dma_wait3A_59 = tpu.memref_slice %arg3[%add3A_41, %dma_wait3A_58] : memref<8192x1024xf32, #tpu.memory_space<hbm>> -> memref<32x1024xf32, #tpu.memory_space<hbm>>
      tpu.wait_dma2 semaphore(%arg9 : memref<!tpu.dma_semaphore, #tpu.memory_space<semaphore_mem>>) src(%dma_wait3A_59 : memref<32x1024xf32, #tpu.memory_space<hbm>>) dst(%arg7 : memref<32x1024xf32, #tpu.memory_space<vmem>>)
      %add3A_60 = arith.constant 0 : i32
      %add3A_61 = arith.addi %add3A_41, %add3A_60 : i32
      %gt3A = arith.constant 4096 : i32
      %gt3A_62 = arith.cmpi sgt, %add3A_61, %gt3A : i32
      %jit3A_63 = arith.constant 1.000000e+00 : f32
      %jit3A_64 = arith.constant 0.000000e+00 : f32
      %select_n3A_65 = arith.select %gt3A_62, %jit3A_63, %jit3A_64 : f32
      %broadcast_in_dim3A = vector.broadcast %select_n3A_65 : f32 to vector<16xf32>
      %add3A_66 = arith.constant 1 : i32
      %add3A_67 = arith.addi %add3A_41, %add3A_66 : i32
      %gt3A_68 = arith.constant 4096 : i32
      %gt3A_69 = arith.cmpi sgt, %add3A_67, %gt3A_68 : i32
      %jit3A_70 = arith.constant 1.000000e+00 : f32
      %jit3A_71 = arith.constant 0.000000e+00 : f32
      %select_n3A_72 = arith.select %gt3A_69, %jit3A_70, %jit3A_71 : f32
      %broadcast_in_dim3A_73 = vector.broadcast %select_n3A_72 : f32 to vector<16xf32>
      %add3A_74 = arith.constant 2 : i32
      %add3A_75 = arith.addi %add3A_41, %add3A_74 : i32
      %gt3A_76 = arith.constant 4096 : i32
      %gt3A_77 = arith.cmpi sgt, %add3A_75, %gt3A_76 : i32
      %jit3A_78 = arith.constant 1.000000e+00 : f32
      %jit3A_79 = arith.constant 0.000000e+00 : f32
      %select_n3A_80 = arith.select %gt3A_77, %jit3A_78, %jit3A_79 : f32
      %broadcast_in_dim3A_81 = vector.broadcast %select_n3A_80 : f32 to vector<16xf32>
      %add3A_82 = arith.constant 3 : i32
      %add3A_83 = arith.addi %add3A_41, %add3A_82 : i32
      %gt3A_84 = arith.constant 4096 : i32
      %gt3A_85 = arith.cmpi sgt, %add3A_83, %gt3A_84 : i32
      %jit3A_86 = arith.constant 1.000000e+00 : f32
      %jit3A_87 = arith.constant 0.000000e+00 : f32
      %select_n3A_88 = arith.select %gt3A_85, %jit3A_86, %jit3A_87 : f32
      %broadcast_in_dim3A_89 = vector.broadcast %select_n3A_88 : f32 to vector<16xf32>
      %add3A_90 = arith.constant 4 : i32
      %add3A_91 = arith.addi %add3A_41, %add3A_90 : i32
      %gt3A_92 = arith.constant 4096 : i32
      %gt3A_93 = arith.cmpi sgt, %add3A_91, %gt3A_92 : i32
      %jit3A_94 = arith.constant 1.000000e+00 : f32
      %jit3A_95 = arith.constant 0.000000e+00 : f32
      %select_n3A_96 = arith.select %gt3A_93, %jit3A_94, %jit3A_95 : f32
      %broadcast_in_dim3A_97 = vector.broadcast %select_n3A_96 : f32 to vector<16xf32>
      %add3A_98 = arith.constant 5 : i32
      %add3A_99 = arith.addi %add3A_41, %add3A_98 : i32
      %gt3A_100 = arith.constant 4096 : i32
      %gt3A_101 = arith.cmpi sgt, %add3A_99, %gt3A_100 : i32
      %jit3A_102 = arith.constant 1.000000e+00 : f32
      %jit3A_103 = arith.constant 0.000000e+00 : f32
      %select_n3A_104 = arith.select %gt3A_101, %jit3A_102, %jit3A_103 : f32
      %broadcast_in_dim3A_105 = vector.broadcast %select_n3A_104 : f32 to vector<16xf32>
      %add3A_106 = arith.constant 6 : i32
      %add3A_107 = arith.addi %add3A_41, %add3A_106 : i32
      %gt3A_108 = arith.constant 4096 : i32
      %gt3A_109 = arith.cmpi sgt, %add3A_107, %gt3A_108 : i32
      %jit3A_110 = arith.constant 1.000000e+00 : f32
      %jit3A_111 = arith.constant 0.000000e+00 : f32
      %select_n3A_112 = arith.select %gt3A_109, %jit3A_110, %jit3A_111 : f32
      %broadcast_in_dim3A_113 = vector.broadcast %select_n3A_112 : f32 to vector<16xf32>
      %add3A_114 = arith.constant 7 : i32
      %add3A_115 = arith.addi %add3A_41, %add3A_114 : i32
      %gt3A_116 = arith.constant 4096 : i32
      %gt3A_117 = arith.cmpi sgt, %add3A_115, %gt3A_116 : i32
      %jit3A_118 = arith.constant 1.000000e+00 : f32
      %jit3A_119 = arith.constant 0.000000e+00 : f32
      %select_n3A_120 = arith.select %gt3A_117, %jit3A_118, %jit3A_119 : f32
      %broadcast_in_dim3A_121 = vector.broadcast %select_n3A_120 : f32 to vector<16xf32>
      %add3A_122 = arith.constant 8 : i32
      %add3A_123 = arith.addi %add3A_41, %add3A_122 : i32
      %gt3A_124 = arith.constant 4096 : i32
      %gt3A_125 = arith.cmpi sgt, %add3A_123, %gt3A_124 : i32
      %jit3A_126 = arith.constant 1.000000e+00 : f32
      %jit3A_127 = arith.constant 0.000000e+00 : f32
      %select_n3A_128 = arith.select %gt3A_125, %jit3A_126, %jit3A_127 : f32
      %broadcast_in_dim3A_129 = vector.broadcast %select_n3A_128 : f32 to vector<16xf32>
      %add3A_130 = arith.constant 9 : i32
      %add3A_131 = arith.addi %add3A_41, %add3A_130 : i32
      %gt3A_132 = arith.constant 4096 : i32
      %gt3A_133 = arith.cmpi sgt, %add3A_131, %gt3A_132 : i32
      %jit3A_134 = arith.constant 1.000000e+00 : f32
      %jit3A_135 = arith.constant 0.000000e+00 : f32
      %select_n3A_136 = arith.select %gt3A_133, %jit3A_134, %jit3A_135 : f32
      %broadcast_in_dim3A_137 = vector.broadcast %select_n3A_136 : f32 to vector<16xf32>
      %add3A_138 = arith.constant 10 : i32
      %add3A_139 = arith.addi %add3A_41, %add3A_138 : i32
      %gt3A_140 = arith.constant 4096 : i32
      %gt3A_141 = arith.cmpi sgt, %add3A_139, %gt3A_140 : i32
      %jit3A_142 = arith.constant 1.000000e+00 : f32
      %jit3A_143 = arith.constant 0.000000e+00 : f32
      %select_n3A_144 = arith.select %gt3A_141, %jit3A_142, %jit3A_143 : f32
      %broadcast_in_dim3A_145 = vector.broadcast %select_n3A_144 : f32 to vector<16xf32>
      %add3A_146 = arith.constant 11 : i32
      %add3A_147 = arith.addi %add3A_41, %add3A_146 : i32
      %gt3A_148 = arith.constant 4096 : i32
      %gt3A_149 = arith.cmpi sgt, %add3A_147, %gt3A_148 : i32
      %jit3A_150 = arith.constant 1.000000e+00 : f32
      %jit3A_151 = arith.constant 0.000000e+00 : f32
      %select_n3A_152 = arith.select %gt3A_149, %jit3A_150, %jit3A_151 : f32
      %broadcast_in_dim3A_153 = vector.broadcast %select_n3A_152 : f32 to vector<16xf32>
      %add3A_154 = arith.constant 12 : i32
      %add3A_155 = arith.addi %add3A_41, %add3A_154 : i32
      %gt3A_156 = arith.constant 4096 : i32
      %gt3A_157 = arith.cmpi sgt, %add3A_155, %gt3A_156 : i32
      %jit3A_158 = arith.constant 1.000000e+00 : f32
      %jit3A_159 = arith.constant 0.000000e+00 : f32
      %select_n3A_160 = arith.select %gt3A_157, %jit3A_158, %jit3A_159 : f32
      %broadcast_in_dim3A_161 = vector.broadcast %select_n3A_160 : f32 to vector<16xf32>
      %add3A_162 = arith.constant 13 : i32
      %add3A_163 = arith.addi %add3A_41, %add3A_162 : i32
      %gt3A_164 = arith.constant 4096 : i32
      %gt3A_165 = arith.cmpi sgt, %add3A_163, %gt3A_164 : i32
      %jit3A_166 = arith.constant 1.000000e+00 : f32
      %jit3A_167 = arith.constant 0.000000e+00 : f32
      %select_n3A_168 = arith.select %gt3A_165, %jit3A_166, %jit3A_167 : f32
      %broadcast_in_dim3A_169 = vector.broadcast %select_n3A_168 : f32 to vector<16xf32>
      %add3A_170 = arith.constant 14 : i32
      %add3A_171 = arith.addi %add3A_41, %add3A_170 : i32
      %gt3A_172 = arith.constant 4096 : i32
      %gt3A_173 = arith.cmpi sgt, %add3A_171, %gt3A_172 : i32
      %jit3A_174 = arith.constant 1.000000e+00 : f32
      %jit3A_175 = arith.constant 0.000000e+00 : f32
      %select_n3A_176 = arith.select %gt3A_173, %jit3A_174, %jit3A_175 : f32
      %broadcast_in_dim3A_177 = vector.broadcast %select_n3A_176 : f32 to vector<16xf32>
      %add3A_178 = arith.constant 15 : i32
      %add3A_179 = arith.addi %add3A_41, %add3A_178 : i32
      %gt3A_180 = arith.constant 4096 : i32
      %gt3A_181 = arith.cmpi sgt, %add3A_179, %gt3A_180 : i32
      %jit3A_182 = arith.constant 1.000000e+00 : f32
      %jit3A_183 = arith.constant 0.000000e+00 : f32
      %select_n3A_184 = arith.select %gt3A_181, %jit3A_182, %jit3A_183 : f32
      %broadcast_in_dim3A_185 = vector.broadcast %select_n3A_184 : f32 to vector<16xf32>
      %add3A_186 = arith.constant 16 : i32
      %add3A_187 = arith.addi %add3A_41, %add3A_186 : i32
      %gt3A_188 = arith.constant 4096 : i32
      %gt3A_189 = arith.cmpi sgt, %add3A_187, %gt3A_188 : i32
      %jit3A_190 = arith.constant 1.000000e+00 : f32
      %jit3A_191 = arith.constant 0.000000e+00 : f32
      %select_n3A_192 = arith.select %gt3A_189, %jit3A_190, %jit3A_191 : f32
      %broadcast_in_dim3A_193 = vector.broadcast %select_n3A_192 : f32 to vector<16xf32>
      %add3A_194 = arith.constant 17 : i32
      %add3A_195 = arith.addi %add3A_41, %add3A_194 : i32
      %gt3A_196 = arith.constant 4096 : i32
      %gt3A_197 = arith.cmpi sgt, %add3A_195, %gt3A_196 : i32
      %jit3A_198 = arith.constant 1.000000e+00 : f32
      %jit3A_199 = arith.constant 0.000000e+00 : f32
      %select_n3A_200 = arith.select %gt3A_197, %jit3A_198, %jit3A_199 : f32
      %broadcast_in_dim3A_201 = vector.broadcast %select_n3A_200 : f32 to vector<16xf32>
      %add3A_202 = arith.constant 18 : i32
      %add3A_203 = arith.addi %add3A_41, %add3A_202 : i32
      %gt3A_204 = arith.constant 4096 : i32
      %gt3A_205 = arith.cmpi sgt, %add3A_203, %gt3A_204 : i32
      %jit3A_206 = arith.constant 1.000000e+00 : f32
      %jit3A_207 = arith.constant 0.000000e+00 : f32
      %select_n3A_208 = arith.select %gt3A_205, %jit3A_206, %jit3A_207 : f32
      %broadcast_in_dim3A_209 = vector.broadcast %select_n3A_208 : f32 to vector<16xf32>
      %add3A_210 = arith.constant 19 : i32
      %add3A_211 = arith.addi %add3A_41, %add3A_210 : i32
      %gt3A_212 = arith.constant 4096 : i32
      %gt3A_213 = arith.cmpi sgt, %add3A_211, %gt3A_212 : i32
      %jit3A_214 = arith.constant 1.000000e+00 : f32
      %jit3A_215 = arith.constant 0.000000e+00 : f32
      %select_n3A_216 = arith.select %gt3A_213, %jit3A_214, %jit3A_215 : f32
      %broadcast_in_dim3A_217 = vector.broadcast %select_n3A_216 : f32 to vector<16xf32>
      %add3A_218 = arith.constant 20 : i32
      %add3A_219 = arith.addi %add3A_41, %add3A_218 : i32
      %gt3A_220 = arith.constant 4096 : i32
      %gt3A_221 = arith.cmpi sgt, %add3A_219, %gt3A_220 : i32
      %jit3A_222 = arith.constant 1.000000e+00 : f32
      %jit3A_223 = arith.constant 0.000000e+00 : f32
      %select_n3A_224 = arith.select %gt3A_221, %jit3A_222, %jit3A_223 : f32
      %broadcast_in_dim3A_225 = vector.broadcast %select_n3A_224 : f32 to vector<16xf32>
      %add3A_226 = arith.constant 21 : i32
      %add3A_227 = arith.addi %add3A_41, %add3A_226 : i32
      %gt3A_228 = arith.constant 4096 : i32
      %gt3A_229 = arith.cmpi sgt, %add3A_227, %gt3A_228 : i32
      %jit3A_230 = arith.constant 1.000000e+00 : f32
      %jit3A_231 = arith.constant 0.000000e+00 : f32
      %select_n3A_232 = arith.select %gt3A_229, %jit3A_230, %jit3A_231 : f32
      %broadcast_in_dim3A_233 = vector.broadcast %select_n3A_232 : f32 to vector<16xf32>
      %add3A_234 = arith.constant 22 : i32
      %add3A_235 = arith.addi %add3A_41, %add3A_234 : i32
      %gt3A_236 = arith.constant 4096 : i32
      %gt3A_237 = arith.cmpi sgt, %add3A_235, %gt3A_236 : i32
      %jit3A_238 = arith.constant 1.000000e+00 : f32
      %jit3A_239 = arith.constant 0.000000e+00 : f32
      %select_n3A_240 = arith.select %gt3A_237, %jit3A_238, %jit3A_239 : f32
      %broadcast_in_dim3A_241 = vector.broadcast %select_n3A_240 : f32 to vector<16xf32>
      %add3A_242 = arith.constant 23 : i32
      %add3A_243 = arith.addi %add3A_41, %add3A_242 : i32
      %gt3A_244 = arith.constant 4096 : i32
      %gt3A_245 = arith.cmpi sgt, %add3A_243, %gt3A_244 : i32
      %jit3A_246 = arith.constant 1.000000e+00 : f32
      %jit3A_247 = arith.constant 0.000000e+00 : f32
      %select_n3A_248 = arith.select %gt3A_245, %jit3A_246, %jit3A_247 : f32
      %broadcast_in_dim3A_249 = vector.broadcast %select_n3A_248 : f32 to vector<16xf32>
      %add3A_250 = arith.constant 24 : i32
      %add3A_251 = arith.addi %add3A_41, %add3A_250 : i32
      %gt3A_252 = arith.constant 4096 : i32
      %gt3A_253 = arith.cmpi sgt, %add3A_251, %gt3A_252 : i32
      %jit3A_254 = arith.constant 1.000000e+00 : f32
      %jit3A_255 = arith.constant 0.000000e+00 : f32
      %select_n3A_256 = arith.select %gt3A_253, %jit3A_254, %jit3A_255 : f32
      %broadcast_in_dim3A_257 = vector.broadcast %select_n3A_256 : f32 to vector<16xf32>
      %add3A_258 = arith.constant 25 : i32
      %add3A_259 = arith.addi %add3A_41, %add3A_258 : i32
      %gt3A_260 = arith.constant 4096 : i32
      %gt3A_261 = arith.cmpi sgt, %add3A_259, %gt3A_260 : i32
      %jit3A_262 = arith.constant 1.000000e+00 : f32
      %jit3A_263 = arith.constant 0.000000e+00 : f32
      %select_n3A_264 = arith.select %gt3A_261, %jit3A_262, %jit3A_263 : f32
      %broadcast_in_dim3A_265 = vector.broadcast %select_n3A_264 : f32 to vector<16xf32>
      %add3A_266 = arith.constant 26 : i32
      %add3A_267 = arith.addi %add3A_41, %add3A_266 : i32
      %gt3A_268 = arith.constant 4096 : i32
      %gt3A_269 = arith.cmpi sgt, %add3A_267, %gt3A_268 : i32
      %jit3A_270 = arith.constant 1.000000e+00 : f32
      %jit3A_271 = arith.constant 0.000000e+00 : f32
      %select_n3A_272 = arith.select %gt3A_269, %jit3A_270, %jit3A_271 : f32
      %broadcast_in_dim3A_273 = vector.broadcast %select_n3A_272 : f32 to vector<16xf32>
      %add3A_274 = arith.constant 27 : i32
      %add3A_275 = arith.addi %add3A_41, %add3A_274 : i32
      %gt3A_276 = arith.constant 4096 : i32
      %gt3A_277 = arith.cmpi sgt, %add3A_275, %gt3A_276 : i32
      %jit3A_278 = arith.constant 1.000000e+00 : f32
      %jit3A_279 = arith.constant 0.000000e+00 : f32
      %select_n3A_280 = arith.select %gt3A_277, %jit3A_278, %jit3A_279 : f32
      %broadcast_in_dim3A_281 = vector.broadcast %select_n3A_280 : f32 to vector<16xf32>
      %add3A_282 = arith.constant 28 : i32
      %add3A_283 = arith.addi %add3A_41, %add3A_282 : i32
      %gt3A_284 = arith.constant 4096 : i32
      %gt3A_285 = arith.cmpi sgt, %add3A_283, %gt3A_284 : i32
      %jit3A_286 = arith.constant 1.000000e+00 : f32
      %jit3A_287 = arith.constant 0.000000e+00 : f32
      %select_n3A_288 = arith.select %gt3A_285, %jit3A_286, %jit3A_287 : f32
      %broadcast_in_dim3A_289 = vector.broadcast %select_n3A_288 : f32 to vector<16xf32>
      %add3A_290 = arith.constant 29 : i32
      %add3A_291 = arith.addi %add3A_41, %add3A_290 : i32
      %gt3A_292 = arith.constant 4096 : i32
      %gt3A_293 = arith.cmpi sgt, %add3A_291, %gt3A_292 : i32
      %jit3A_294 = arith.constant 1.000000e+00 : f32
      %jit3A_295 = arith.constant 0.000000e+00 : f32
      %select_n3A_296 = arith.select %gt3A_293, %jit3A_294, %jit3A_295 : f32
      %broadcast_in_dim3A_297 = vector.broadcast %select_n3A_296 : f32 to vector<16xf32>
      %add3A_298 = arith.constant 30 : i32
      %add3A_299 = arith.addi %add3A_41, %add3A_298 : i32
      %gt3A_300 = arith.constant 4096 : i32
      %gt3A_301 = arith.cmpi sgt, %add3A_299, %gt3A_300 : i32
      %jit3A_302 = arith.constant 1.000000e+00 : f32
      %jit3A_303 = arith.constant 0.000000e+00 : f32
      %select_n3A_304 = arith.select %gt3A_301, %jit3A_302, %jit3A_303 : f32
      %broadcast_in_dim3A_305 = vector.broadcast %select_n3A_304 : f32 to vector<16xf32>
      %add3A_306 = arith.constant 31 : i32
      %add3A_307 = arith.addi %add3A_41, %add3A_306 : i32
      %gt3A_308 = arith.constant 4096 : i32
      %gt3A_309 = arith.cmpi sgt, %add3A_307, %gt3A_308 : i32
      %jit3A_310 = arith.constant 1.000000e+00 : f32
      %jit3A_311 = arith.constant 0.000000e+00 : f32
      %select_n3A_312 = arith.select %gt3A_309, %jit3A_310, %jit3A_311 : f32
      %broadcast_in_dim3A_313 = vector.broadcast %select_n3A_312 : f32 to vector<16xf32>
      %scan3A_314 = arith.constant 0 : i32
      %scan3A_315 = arith.constant 0 : i32
      %scan3A_316 = arith.constant 64 : i32
      %scan3A_317 = arith.addi %scan3A_315, %scan3A_316 : i32
      %scan3A_318 = arith.constant 1 : i32
      scf.for %scan3A_320 = %scan3A_315 to %scan3A_317 step %scan3A_318  : i32 {
        %mul3A_321 = arith.constant 16 : i32
        %mul3A_322 = arith.muli %scan3A_320, %mul3A_321 : i32
        %get3A = arith.constant 0 : i32
        %get3A_323 = arith.index_cast %get3A : i32 to index
        %get3A_324 = arith.index_cast %mul3A_322 : i32 to index
        %get3A_325 = tpu.vector_load %arg8[%get3A_323, %get3A_324] {strides = array<i32>} : memref<2x1024xf32, #tpu.memory_space<vmem>>, vector<1x16xf32>,
        %get3A_326 = vector.shape_cast %get3A_325 : vector<1x16xf32> to vector<16xf32>
        %get3A_327 = arith.constant 1 : i32
        %get3A_328 = arith.index_cast %get3A_327 : i32 to index
        %get3A_329 = arith.index_cast %mul3A_322 : i32 to index
        %get3A_330 = tpu.vector_load %arg8[%get3A_328, %get3A_329] {strides = array<i32>} : memref<2x1024xf32, #tpu.memory_space<vmem>>, vector<1x16xf32>,
        %get3A_331 = vector.shape_cast %get3A_330 : vector<1x16xf32> to vector<16xf32>
        %sub3A_332 = arith.subf %get3A_331, %get3A_326 : vector<16xf32>
        %get3A_333 = arith.constant 0 : i32
        %get3A_334 = arith.index_cast %get3A_333 : i32 to index
        %get3A_335 = arith.index_cast %mul3A_322 : i32 to index
        %get3A_336 = tpu.vector_load %arg6[%get3A_334, %get3A_335] {strides = array<i32>} : memref<32x1024xf32, #tpu.memory_space<vmem>>, vector<1x16xf32>,
        %get3A_337 = vector.shape_cast %get3A_336 : vector<1x16xf32> to vector<16xf32>
        %get3A_338 = arith.constant 0 : i32
        %get3A_339 = arith.index_cast %get3A_338 : i32 to index
        %get3A_340 = arith.index_cast %mul3A_322 : i32 to index
        %get3A_341 = tpu.vector_load %arg7[%get3A_339, %get3A_340] {strides = array<i32>} : memref<32x1024xf32, #tpu.memory_space<vmem>>, vector<1x16xf32>,
        %get3A_342 = vector.shape_cast %get3A_341 : vector<1x16xf32> to vector<16xf32>
        %add3A_343 = arith.addf %get3A_337, %get3A_342 : vector<16xf32>
        %mul3A_344 = arith.mulf %broadcast_in_dim3A, %sub3A_332 : vector<16xf32>
        %add3A_345 = arith.addf %get3A_326, %mul3A_344 : vector<16xf32>
        %add3A_346 = arith.addf %add3A_343, %add3A_345 : vector<16xf32>
        %swap3A = arith.constant 0 : i32
        %swap3A_347 = arith.index_cast %swap3A : i32 to index
        %swap3A_348 = arith.index_cast %mul3A_322 : i32 to index
        %swap3A_349 = tpu.vector_load %arg6[%swap3A_347, %swap3A_348] {strides = array<i32>} : memref<32x1024xf32, #tpu.memory_space<vmem>>, vector<1x16xf32>,
        %swap3A_350 = vector.shape_cast %swap3A_349 : vector<1x16xf32> to vector<16xf32>
        %swap3A_351 = vector.shape_cast %add3A_346 : vector<16xf32> to vector<1x16xf32>
        tpu.vector_store %arg6[%swap3A_347, %swap3A_348], %swap3A_351 {strides = array<i32>} : memref<32x1024xf32, #tpu.memory_space<vmem>>, vector<1x16xf32>,
        %get3A_352 = arith.constant 1 : i32
        %get3A_353 = arith.index_cast %get3A_352 : i32 to index
        %get3A_354 = arith.index_cast %mul3A_322 : i32 to index
        %get3A_355 = tpu.vector_load %arg6[%get3A_353, %get3A_354] {strides = array<i32>} : memref<32x1024xf32, #tpu.memory_space<vmem>>, vector<1x16xf32>,
        %get3A_356 = vector.shape_cast %get3A_355 : vector<1x16xf32> to vector<16xf32>
        %get3A_357 = arith.constant 1 : i32
        %get3A_358 = arith.index_cast %get3A_357 : i32 to index
        %get3A_359 = arith.index_cast %mul3A_322 : i32 to index
        %get3A_360 = tpu.vector_load %arg7[%get3A_358, %get3A_359] {strides = array<i32>} : memref<32x1024xf32, #tpu.memory_space<vmem>>, vector<1x16xf32>,
        %get3A_361 = vector.shape_cast %get3A_360 : vector<1x16xf32> to vector<16xf32>
        %add3A_362 = arith.addf %get3A_356, %get3A_361 : vector<16xf32>
        %mul3A_363 = arith.mulf %broadcast_in_dim3A_73, %sub3A_332 : vector<16xf32>
        %add3A_364 = arith.addf %get3A_326, %mul3A_363 : vector<16xf32>
        %add3A_365 = arith.addf %add3A_362, %add3A_364 : vector<16xf32>
        %swap3A_366 = arith.constant 1 : i32
        %swap3A_367 = arith.index_cast %swap3A_366 : i32 to index
        %swap3A_368 = arith.index_cast %mul3A_322 : i32 to index
        %swap3A_369 = tpu.vector_load %arg6[%swap3A_367, %swap3A_368] {strides = array<i32>} : memref<32x1024xf32, #tpu.memory_space<vmem>>, vector<1x16xf32>,
        %swap3A_370 = vector.shape_cast %swap3A_369 : vector<1x16xf32> to vector<16xf32>
        %swap3A_371 = vector.shape_cast %add3A_365 : vector<16xf32> to vector<1x16xf32>
        tpu.vector_store %arg6[%swap3A_367, %swap3A_368], %swap3A_371 {strides = array<i32>} : memref<32x1024xf32, #tpu.memory_space<vmem>>, vector<1x16xf32>,
        %get3A_372 = arith.constant 2 : i32
        %get3A_373 = arith.index_cast %get3A_372 : i32 to index
        %get3A_374 = arith.index_cast %mul3A_322 : i32 to index
        %get3A_375 = tpu.vector_load %arg6[%get3A_373, %get3A_374] {strides = array<i32>} : memref<32x1024xf32, #tpu.memory_space<vmem>>, vector<1x16xf32>,
        %get3A_376 = vector.shape_cast %get3A_375 : vector<1x16xf32> to vector<16xf32>
        %get3A_377 = arith.constant 2 : i32
        %get3A_378 = arith.index_cast %get3A_377 : i32 to index
        %get3A_379 = arith.index_cast %mul3A_322 : i32 to index
        %get3A_380 = tpu.vector_load %arg7[%get3A_378, %get3A_379] {strides = array<i32>} : memref<32x1024xf32, #tpu.memory_space<vmem>>, vector<1x16xf32>,
        %get3A_381 = vector.shape_cast %get3A_380 : vector<1x16xf32> to vector<16xf32>
        %add3A_382 = arith.addf %get3A_376, %get3A_381 : vector<16xf32>
        %mul3A_383 = arith.mulf %broadcast_in_dim3A_81, %sub3A_332 : vector<16xf32>
        %add3A_384 = arith.addf %get3A_326, %mul3A_383 : vector<16xf32>
        %add3A_385 = arith.addf %add3A_382, %add3A_384 : vector<16xf32>
        %swap3A_386 = arith.constant 2 : i32
        %swap3A_387 = arith.index_cast %swap3A_386 : i32 to index
        %swap3A_388 = arith.index_cast %mul3A_322 : i32 to index
        %swap3A_389 = tpu.vector_load %arg6[%swap3A_387, %swap3A_388] {strides = array<i32>} : memref<32x1024xf32, #tpu.memory_space<vmem>>, vector<1x16xf32>,
        %swap3A_390 = vector.shape_cast %swap3A_389 : vector<1x16xf32> to vector<16xf32>
        %swap3A_391 = vector.shape_cast %add3A_385 : vector<16xf32> to vector<1x16xf32>
        tpu.vector_store %arg6[%swap3A_387, %swap3A_388], %swap3A_391 {strides = array<i32>} : memref<32x1024xf32, #tpu.memory_space<vmem>>, vector<1x16xf32>,
        %get3A_392 = arith.constant 3 : i32
        %get3A_393 = arith.index_cast %get3A_392 : i32 to index
        %get3A_394 = arith.index_cast %mul3A_322 : i32 to index
        %get3A_395 = tpu.vector_load %arg6[%get3A_393, %get3A_394] {strides = array<i32>} : memref<32x1024xf32, #tpu.memory_space<vmem>>, vector<1x16xf32>,
        %get3A_396 = vector.shape_cast %get3A_395 : vector<1x16xf32> to vector<16xf32>
        %get3A_397 = arith.constant 3 : i32
        %get3A_398 = arith.index_cast %get3A_397 : i32 to index
        %get3A_399 = arith.index_cast %mul3A_322 : i32 to index
        %get3A_400 = tpu.vector_load %arg7[%get3A_398, %get3A_399] {strides = array<i32>} : memref<32x1024xf32, #tpu.memory_space<vmem>>, vector<1x16xf32>,
        %get3A_401 = vector.shape_cast %get3A_400 : vector<1x16xf32> to vector<16xf32>
        %add3A_402 = arith.addf %get3A_396, %get3A_401 : vector<16xf32>
        %mul3A_403 = arith.mulf %broadcast_in_dim3A_89, %sub3A_332 : vector<16xf32>
        %add3A_404 = arith.addf %get3A_326, %mul3A_403 : vector<16xf32>
        %add3A_405 = arith.addf %add3A_402, %add3A_404 : vector<16xf32>
        %swap3A_406 = arith.constant 3 : i32
        %swap3A_407 = arith.index_cast %swap3A_406 : i32 to index
        %swap3A_408 = arith.index_cast %mul3A_322 : i32 to index
        %swap3A_409 = tpu.vector_load %arg6[%swap3A_407, %swap3A_408] {strides = array<i32>} : memref<32x1024xf32, #tpu.memory_space<vmem>>, vector<1x16xf32>,
        %swap3A_410 = vector.shape_cast %swap3A_409 : vector<1x16xf32> to vector<16xf32>
        %swap3A_411 = vector.shape_cast %add3A_405 : vector<16xf32> to vector<1x16xf32>
        tpu.vector_store %arg6[%swap3A_407, %swap3A_408], %swap3A_411 {strides = array<i32>} : memref<32x1024xf32, #tpu.memory_space<vmem>>, vector<1x16xf32>,
        %get3A_412 = arith.constant 4 : i32
        %get3A_413 = arith.index_cast %get3A_412 : i32 to index
        %get3A_414 = arith.index_cast %mul3A_322 : i32 to index
        %get3A_415 = tpu.vector_load %arg6[%get3A_413, %get3A_414] {strides = array<i32>} : memref<32x1024xf32, #tpu.memory_space<vmem>>, vector<1x16xf32>,
        %get3A_416 = vector.shape_cast %get3A_415 : vector<1x16xf32> to vector<16xf32>
        %get3A_417 = arith.constant 4 : i32
        %get3A_418 = arith.index_cast %get3A_417 : i32 to index
        %get3A_419 = arith.index_cast %mul3A_322 : i32 to index
        %get3A_420 = tpu.vector_load %arg7[%get3A_418, %get3A_419] {strides = array<i32>} : memref<32x1024xf32, #tpu.memory_space<vmem>>, vector<1x16xf32>,
        %get3A_421 = vector.shape_cast %get3A_420 : vector<1x16xf32> to vector<16xf32>
        %add3A_422 = arith.addf %get3A_416, %get3A_421 : vector<16xf32>
        %mul3A_423 = arith.mulf %broadcast_in_dim3A_97, %sub3A_332 : vector<16xf32>
        %add3A_424 = arith.addf %get3A_326, %mul3A_423 : vector<16xf32>
        %add3A_425 = arith.addf %add3A_422, %add3A_424 : vector<16xf32>
        %swap3A_426 = arith.constant 4 : i32
        %swap3A_427 = arith.index_cast %swap3A_426 : i32 to index
        %swap3A_428 = arith.index_cast %mul3A_322 : i32 to index
        %swap3A_429 = tpu.vector_load %arg6[%swap3A_427, %swap3A_428] {strides = array<i32>} : memref<32x1024xf32, #tpu.memory_space<vmem>>, vector<1x16xf32>,
        %swap3A_430 = vector.shape_cast %swap3A_429 : vector<1x16xf32> to vector<16xf32>
        %swap3A_431 = vector.shape_cast %add3A_425 : vector<16xf32> to vector<1x16xf32>
        tpu.vector_store %arg6[%swap3A_427, %swap3A_428], %swap3A_431 {strides = array<i32>} : memref<32x1024xf32, #tpu.memory_space<vmem>>, vector<1x16xf32>,
        %get3A_432 = arith.constant 5 : i32
        %get3A_433 = arith.index_cast %get3A_432 : i32 to index
        %get3A_434 = arith.index_cast %mul3A_322 : i32 to index
        %get3A_435 = tpu.vector_load %arg6[%get3A_433, %get3A_434] {strides = array<i32>} : memref<32x1024xf32, #tpu.memory_space<vmem>>, vector<1x16xf32>,
        %get3A_436 = vector.shape_cast %get3A_435 : vector<1x16xf32> to vector<16xf32>
        %get3A_437 = arith.constant 5 : i32
        %get3A_438 = arith.index_cast %get3A_437 : i32 to index
        %get3A_439 = arith.index_cast %mul3A_322 : i32 to index
        %get3A_440 = tpu.vector_load %arg7[%get3A_438, %get3A_439] {strides = array<i32>} : memref<32x1024xf32, #tpu.memory_space<vmem>>, vector<1x16xf32>,
        %get3A_441 = vector.shape_cast %get3A_440 : vector<1x16xf32> to vector<16xf32>
        %add3A_442 = arith.addf %get3A_436, %get3A_441 : vector<16xf32>
        %mul3A_443 = arith.mulf %broadcast_in_dim3A_105, %sub3A_332 : vector<16xf32>
        %add3A_444 = arith.addf %get3A_326, %mul3A_443 : vector<16xf32>
        %add3A_445 = arith.addf %add3A_442, %add3A_444 : vector<16xf32>
        %swap3A_446 = arith.constant 5 : i32
        %swap3A_447 = arith.index_cast %swap3A_446 : i32 to index
        %swap3A_448 = arith.index_cast %mul3A_322 : i32 to index
        %swap3A_449 = tpu.vector_load %arg6[%swap3A_447, %swap3A_448] {strides = array<i32>} : memref<32x1024xf32, #tpu.memory_space<vmem>>, vector<1x16xf32>,
        %swap3A_450 = vector.shape_cast %swap3A_449 : vector<1x16xf32> to vector<16xf32>
        %swap3A_451 = vector.shape_cast %add3A_445 : vector<16xf32> to vector<1x16xf32>
        tpu.vector_store %arg6[%swap3A_447, %swap3A_448], %swap3A_451 {strides = array<i32>} : memref<32x1024xf32, #tpu.memory_space<vmem>>, vector<1x16xf32>,
        %get3A_452 = arith.constant 6 : i32
        %get3A_453 = arith.index_cast %get3A_452 : i32 to index
        %get3A_454 = arith.index_cast %mul3A_322 : i32 to index
        %get3A_455 = tpu.vector_load %arg6[%get3A_453, %get3A_454] {strides = array<i32>} : memref<32x1024xf32, #tpu.memory_space<vmem>>, vector<1x16xf32>,
        %get3A_456 = vector.shape_cast %get3A_455 : vector<1x16xf32> to vector<16xf32>
        %get3A_457 = arith.constant 6 : i32
        %get3A_458 = arith.index_cast %get3A_457 : i32 to index
        %get3A_459 = arith.index_cast %mul3A_322 : i32 to index
        %get3A_460 = tpu.vector_load %arg7[%get3A_458, %get3A_459] {strides = array<i32>} : memref<32x1024xf32, #tpu.memory_space<vmem>>, vector<1x16xf32>,
        %get3A_461 = vector.shape_cast %get3A_460 : vector<1x16xf32> to vector<16xf32>
        %add3A_462 = arith.addf %get3A_456, %get3A_461 : vector<16xf32>
        %mul3A_463 = arith.mulf %broadcast_in_dim3A_113, %sub3A_332 : vector<16xf32>
        %add3A_464 = arith.addf %get3A_326, %mul3A_463 : vector<16xf32>
        %add3A_465 = arith.addf %add3A_462, %add3A_464 : vector<16xf32>
        %swap3A_466 = arith.constant 6 : i32
        %swap3A_467 = arith.index_cast %swap3A_466 : i32 to index
        %swap3A_468 = arith.index_cast %mul3A_322 : i32 to index
        %swap3A_469 = tpu.vector_load %arg6[%swap3A_467, %swap3A_468] {strides = array<i32>} : memref<32x1024xf32, #tpu.memory_space<vmem>>, vector<1x16xf32>,
        %swap3A_470 = vector.shape_cast %swap3A_469 : vector<1x16xf32> to vector<16xf32>
        %swap3A_471 = vector.shape_cast %add3A_465 : vector<16xf32> to vector<1x16xf32>
        tpu.vector_store %arg6[%swap3A_467, %swap3A_468], %swap3A_471 {strides = array<i32>} : memref<32x1024xf32, #tpu.memory_space<vmem>>, vector<1x16xf32>,
        %get3A_472 = arith.constant 7 : i32
        %get3A_473 = arith.index_cast %get3A_472 : i32 to index
        %get3A_474 = arith.index_cast %mul3A_322 : i32 to index
        %get3A_475 = tpu.vector_load %arg6[%get3A_473, %get3A_474] {strides = array<i32>} : memref<32x1024xf32, #tpu.memory_space<vmem>>, vector<1x16xf32>,
        %get3A_476 = vector.shape_cast %get3A_475 : vector<1x16xf32> to vector<16xf32>
        %get3A_477 = arith.constant 7 : i32
        %get3A_478 = arith.index_cast %get3A_477 : i32 to index
        %get3A_479 = arith.index_cast %mul3A_322 : i32 to index
        %get3A_480 = tpu.vector_load %arg7[%get3A_478, %get3A_479] {strides = array<i32>} : memref<32x1024xf32, #tpu.memory_space<vmem>>, vector<1x16xf32>,
        %get3A_481 = vector.shape_cast %get3A_480 : vector<1x16xf32> to vector<16xf32>
        %add3A_482 = arith.addf %get3A_476, %get3A_481 : vector<16xf32>
        %mul3A_483 = arith.mulf %broadcast_in_dim3A_121, %sub3A_332 : vector<16xf32>
        %add3A_484 = arith.addf %get3A_326, %mul3A_483 : vector<16xf32>
        %add3A_485 = arith.addf %add3A_482, %add3A_484 : vector<16xf32>
        %swap3A_486 = arith.constant 7 : i32
        %swap3A_487 = arith.index_cast %swap3A_486 : i32 to index
        %swap3A_488 = arith.index_cast %mul3A_322 : i32 to index
        %swap3A_489 = tpu.vector_load %arg6[%swap3A_487, %swap3A_488] {strides = array<i32>} : memref<32x1024xf32, #tpu.memory_space<vmem>>, vector<1x16xf32>,
        %swap3A_490 = vector.shape_cast %swap3A_489 : vector<1x16xf32> to vector<16xf32>
        %swap3A_491 = vector.shape_cast %add3A_485 : vector<16xf32> to vector<1x16xf32>
        tpu.vector_store %arg6[%swap3A_487, %swap3A_488], %swap3A_491 {strides = array<i32>} : memref<32x1024xf32, #tpu.memory_space<vmem>>, vector<1x16xf32>,
        %get3A_492 = arith.constant 8 : i32
        %get3A_493 = arith.index_cast %get3A_492 : i32 to index
        %get3A_494 = arith.index_cast %mul3A_322 : i32 to index
        %get3A_495 = tpu.vector_load %arg6[%get3A_493, %get3A_494] {strides = array<i32>} : memref<32x1024xf32, #tpu.memory_space<vmem>>, vector<1x16xf32>,
        %get3A_496 = vector.shape_cast %get3A_495 : vector<1x16xf32> to vector<16xf32>
        %get3A_497 = arith.constant 8 : i32
        %get3A_498 = arith.index_cast %get3A_497 : i32 to index
        %get3A_499 = arith.index_cast %mul3A_322 : i32 to index
        %get3A_500 = tpu.vector_load %arg7[%get3A_498, %get3A_499] {strides = array<i32>} : memref<32x1024xf32, #tpu.memory_space<vmem>>, vector<1x16xf32>,
        %get3A_501 = vector.shape_cast %get3A_500 : vector<1x16xf32> to vector<16xf32>
        %add3A_502 = arith.addf %get3A_496, %get3A_501 : vector<16xf32>
        %mul3A_503 = arith.mulf %broadcast_in_dim3A_129, %sub3A_332 : vector<16xf32>
        %add3A_504 = arith.addf %get3A_326, %mul3A_503 : vector<16xf32>
        %add3A_505 = arith.addf %add3A_502, %add3A_504 : vector<16xf32>
        %swap3A_506 = arith.constant 8 : i32
        %swap3A_507 = arith.index_cast %swap3A_506 : i32 to index
        %swap3A_508 = arith.index_cast %mul3A_322 : i32 to index
        %swap3A_509 = tpu.vector_load %arg6[%swap3A_507, %swap3A_508] {strides = array<i32>} : memref<32x1024xf32, #tpu.memory_space<vmem>>, vector<1x16xf32>,
        %swap3A_510 = vector.shape_cast %swap3A_509 : vector<1x16xf32> to vector<16xf32>
        %swap3A_511 = vector.shape_cast %add3A_505 : vector<16xf32> to vector<1x16xf32>
        tpu.vector_store %arg6[%swap3A_507, %swap3A_508], %swap3A_511 {strides = array<i32>} : memref<32x1024xf32, #tpu.memory_space<vmem>>, vector<1x16xf32>,
        %get3A_512 = arith.constant 9 : i32
        %get3A_513 = arith.index_cast %get3A_512 : i32 to index
        %get3A_514 = arith.index_cast %mul3A_322 : i32 to index
        %get3A_515 = tpu.vector_load %arg6[%get3A_513, %get3A_514] {strides = array<i32>} : memref<32x1024xf32, #tpu.memory_space<vmem>>, vector<1x16xf32>,
        %get3A_516 = vector.shape_cast %get3A_515 : vector<1x16xf32> to vector<16xf32>
        %get3A_517 = arith.constant 9 : i32
        %get3A_518 = arith.index_cast %get3A_517 : i32 to index
        %get3A_519 = arith.index_cast %mul3A_322 : i32 to index
        %get3A_520 = tpu.vector_load %arg7[%get3A_518, %get3A_519] {strides = array<i32>} : memref<32x1024xf32, #tpu.memory_space<vmem>>, vector<1x16xf32>,
        %get3A_521 = vector.shape_cast %get3A_520 : vector<1x16xf32> to vector<16xf32>
        %add3A_522 = arith.addf %get3A_516, %get3A_521 : vector<16xf32>
        %mul3A_523 = arith.mulf %broadcast_in_dim3A_137, %sub3A_332 : vector<16xf32>
        %add3A_524 = arith.addf %get3A_326, %mul3A_523 : vector<16xf32>
        %add3A_525 = arith.addf %add3A_522, %add3A_524 : vector<16xf32>
        %swap3A_526 = arith.constant 9 : i32
        %swap3A_527 = arith.index_cast %swap3A_526 : i32 to index
        %swap3A_528 = arith.index_cast %mul3A_322 : i32 to index
        %swap3A_529 = tpu.vector_load %arg6[%swap3A_527, %swap3A_528] {strides = array<i32>} : memref<32x1024xf32, #tpu.memory_space<vmem>>, vector<1x16xf32>,
        %swap3A_530 = vector.shape_cast %swap3A_529 : vector<1x16xf32> to vector<16xf32>
        %swap3A_531 = vector.shape_cast %add3A_525 : vector<16xf32> to vector<1x16xf32>
        tpu.vector_store %arg6[%swap3A_527, %swap3A_528], %swap3A_531 {strides = array<i32>} : memref<32x1024xf32, #tpu.memory_space<vmem>>, vector<1x16xf32>,
        %get3A_532 = arith.constant 10 : i32
        %get3A_533 = arith.index_cast %get3A_532 : i32 to index
        %get3A_534 = arith.index_cast %mul3A_322 : i32 to index
        %get3A_535 = tpu.vector_load %arg6[%get3A_533, %get3A_534] {strides = array<i32>} : memref<32x1024xf32, #tpu.memory_space<vmem>>, vector<1x16xf32>,
        %get3A_536 = vector.shape_cast %get3A_535 : vector<1x16xf32> to vector<16xf32>
        %get3A_537 = arith.constant 10 : i32
        %get3A_538 = arith.index_cast %get3A_537 : i32 to index
        %get3A_539 = arith.index_cast %mul3A_322 : i32 to index
        %get3A_540 = tpu.vector_load %arg7[%get3A_538, %get3A_539] {strides = array<i32>} : memref<32x1024xf32, #tpu.memory_space<vmem>>, vector<1x16xf32>,
        %get3A_541 = vector.shape_cast %get3A_540 : vector<1x16xf32> to vector<16xf32>
        %add3A_542 = arith.addf %get3A_536, %get3A_541 : vector<16xf32>
        %mul3A_543 = arith.mulf %broadcast_in_dim3A_145, %sub3A_332 : vector<16xf32>
        %add3A_544 = arith.addf %get3A_326, %mul3A_543 : vector<16xf32>
        %add3A_545 = arith.addf %add3A_542, %add3A_544 : vector<16xf32>
        %swap3A_546 = arith.constant 10 : i32
        %swap3A_547 = arith.index_cast %swap3A_546 : i32 to index
        %swap3A_548 = arith.index_cast %mul3A_322 : i32 to index
        %swap3A_549 = tpu.vector_load %arg6[%swap3A_547, %swap3A_548] {strides = array<i32>} : memref<32x1024xf32, #tpu.memory_space<vmem>>, vector<1x16xf32>,
        %swap3A_550 = vector.shape_cast %swap3A_549 : vector<1x16xf32> to vector<16xf32>
        %swap3A_551 = vector.shape_cast %add3A_545 : vector<16xf32> to vector<1x16xf32>
        tpu.vector_store %arg6[%swap3A_547, %swap3A_548], %swap3A_551 {strides = array<i32>} : memref<32x1024xf32, #tpu.memory_space<vmem>>, vector<1x16xf32>,
        %get3A_552 = arith.constant 11 : i32
        %get3A_553 = arith.index_cast %get3A_552 : i32 to index
        %get3A_554 = arith.index_cast %mul3A_322 : i32 to index
        %get3A_555 = tpu.vector_load %arg6[%get3A_553, %get3A_554] {strides = array<i32>} : memref<32x1024xf32, #tpu.memory_space<vmem>>, vector<1x16xf32>,
        %get3A_556 = vector.shape_cast %get3A_555 : vector<1x16xf32> to vector<16xf32>
        %get3A_557 = arith.constant 11 : i32
        %get3A_558 = arith.index_cast %get3A_557 : i32 to index
        %get3A_559 = arith.index_cast %mul3A_322 : i32 to index
        %get3A_560 = tpu.vector_load %arg7[%get3A_558, %get3A_559] {strides = array<i32>} : memref<32x1024xf32, #tpu.memory_space<vmem>>, vector<1x16xf32>,
        %get3A_561 = vector.shape_cast %get3A_560 : vector<1x16xf32> to vector<16xf32>
        %add3A_562 = arith.addf %get3A_556, %get3A_561 : vector<16xf32>
        %mul3A_563 = arith.mulf %broadcast_in_dim3A_153, %sub3A_332 : vector<16xf32>
        %add3A_564 = arith.addf %get3A_326, %mul3A_563 : vector<16xf32>
        %add3A_565 = arith.addf %add3A_562, %add3A_564 : vector<16xf32>
        %swap3A_566 = arith.constant 11 : i32
        %swap3A_567 = arith.index_cast %swap3A_566 : i32 to index
        %swap3A_568 = arith.index_cast %mul3A_322 : i32 to index
        %swap3A_569 = tpu.vector_load %arg6[%swap3A_567, %swap3A_568] {strides = array<i32>} : memref<32x1024xf32, #tpu.memory_space<vmem>>, vector<1x16xf32>,
        %swap3A_570 = vector.shape_cast %swap3A_569 : vector<1x16xf32> to vector<16xf32>
        %swap3A_571 = vector.shape_cast %add3A_565 : vector<16xf32> to vector<1x16xf32>
        tpu.vector_store %arg6[%swap3A_567, %swap3A_568], %swap3A_571 {strides = array<i32>} : memref<32x1024xf32, #tpu.memory_space<vmem>>, vector<1x16xf32>,
        %get3A_572 = arith.constant 12 : i32
        %get3A_573 = arith.index_cast %get3A_572 : i32 to index
        %get3A_574 = arith.index_cast %mul3A_322 : i32 to index
        %get3A_575 = tpu.vector_load %arg6[%get3A_573, %get3A_574] {strides = array<i32>} : memref<32x1024xf32, #tpu.memory_space<vmem>>, vector<1x16xf32>,
        %get3A_576 = vector.shape_cast %get3A_575 : vector<1x16xf32> to vector<16xf32>
        %get3A_577 = arith.constant 12 : i32
        %get3A_578 = arith.index_cast %get3A_577 : i32 to index
        %get3A_579 = arith.index_cast %mul3A_322 : i32 to index
        %get3A_580 = tpu.vector_load %arg7[%get3A_578, %get3A_579] {strides = array<i32>} : memref<32x1024xf32, #tpu.memory_space<vmem>>, vector<1x16xf32>,
        %get3A_581 = vector.shape_cast %get3A_580 : vector<1x16xf32> to vector<16xf32>
        %add3A_582 = arith.addf %get3A_576, %get3A_581 : vector<16xf32>
        %mul3A_583 = arith.mulf %broadcast_in_dim3A_161, %sub3A_332 : vector<16xf32>
        %add3A_584 = arith.addf %get3A_326, %mul3A_583 : vector<16xf32>
        %add3A_585 = arith.addf %add3A_582, %add3A_584 : vector<16xf32>
        %swap3A_586 = arith.constant 12 : i32
        %swap3A_587 = arith.index_cast %swap3A_586 : i32 to index
        %swap3A_588 = arith.index_cast %mul3A_322 : i32 to index
        %swap3A_589 = tpu.vector_load %arg6[%swap3A_587, %swap3A_588] {strides = array<i32>} : memref<32x1024xf32, #tpu.memory_space<vmem>>, vector<1x16xf32>,
        %swap3A_590 = vector.shape_cast %swap3A_589 : vector<1x16xf32> to vector<16xf32>
        %swap3A_591 = vector.shape_cast %add3A_585 : vector<16xf32> to vector<1x16xf32>
        tpu.vector_store %arg6[%swap3A_587, %swap3A_588], %swap3A_591 {strides = array<i32>} : memref<32x1024xf32, #tpu.memory_space<vmem>>, vector<1x16xf32>,
        %get3A_592 = arith.constant 13 : i32
        %get3A_593 = arith.index_cast %get3A_592 : i32 to index
        %get3A_594 = arith.index_cast %mul3A_322 : i32 to index
        %get3A_595 = tpu.vector_load %arg6[%get3A_593, %get3A_594] {strides = array<i32>} : memref<32x1024xf32, #tpu.memory_space<vmem>>, vector<1x16xf32>,
        %get3A_596 = vector.shape_cast %get3A_595 : vector<1x16xf32> to vector<16xf32>
        %get3A_597 = arith.constant 13 : i32
        %get3A_598 = arith.index_cast %get3A_597 : i32 to index
        %get3A_599 = arith.index_cast %mul3A_322 : i32 to index
        %get3A_600 = tpu.vector_load %arg7[%get3A_598, %get3A_599] {strides = array<i32>} : memref<32x1024xf32, #tpu.memory_space<vmem>>, vector<1x16xf32>,
        %get3A_601 = vector.shape_cast %get3A_600 : vector<1x16xf32> to vector<16xf32>
        %add3A_602 = arith.addf %get3A_596, %get3A_601 : vector<16xf32>
        %mul3A_603 = arith.mulf %broadcast_in_dim3A_169, %sub3A_332 : vector<16xf32>
        %add3A_604 = arith.addf %get3A_326, %mul3A_603 : vector<16xf32>
        %add3A_605 = arith.addf %add3A_602, %add3A_604 : vector<16xf32>
        %swap3A_606 = arith.constant 13 : i32
        %swap3A_607 = arith.index_cast %swap3A_606 : i32 to index
        %swap3A_608 = arith.index_cast %mul3A_322 : i32 to index
        %swap3A_609 = tpu.vector_load %arg6[%swap3A_607, %swap3A_608] {strides = array<i32>} : memref<32x1024xf32, #tpu.memory_space<vmem>>, vector<1x16xf32>,
        %swap3A_610 = vector.shape_cast %swap3A_609 : vector<1x16xf32> to vector<16xf32>
        %swap3A_611 = vector.shape_cast %add3A_605 : vector<16xf32> to vector<1x16xf32>
        tpu.vector_store %arg6[%swap3A_607, %swap3A_608], %swap3A_611 {strides = array<i32>} : memref<32x1024xf32, #tpu.memory_space<vmem>>, vector<1x16xf32>,
        %get3A_612 = arith.constant 14 : i32
        %get3A_613 = arith.index_cast %get3A_612 : i32 to index
        %get3A_614 = arith.index_cast %mul3A_322 : i32 to index
        %get3A_615 = tpu.vector_load %arg6[%get3A_613, %get3A_614] {strides = array<i32>} : memref<32x1024xf32, #tpu.memory_space<vmem>>, vector<1x16xf32>,
        %get3A_616 = vector.shape_cast %get3A_615 : vector<1x16xf32> to vector<16xf32>
        %get3A_617 = arith.constant 14 : i32
        %get3A_618 = arith.index_cast %get3A_617 : i32 to index
        %get3A_619 = arith.index_cast %mul3A_322 : i32 to index
        %get3A_620 = tpu.vector_load %arg7[%get3A_618, %get3A_619] {strides = array<i32>} : memref<32x1024xf32, #tpu.memory_space<vmem>>, vector<1x16xf32>,
        %get3A_621 = vector.shape_cast %get3A_620 : vector<1x16xf32> to vector<16xf32>
        %add3A_622 = arith.addf %get3A_616, %get3A_621 : vector<16xf32>
        %mul3A_623 = arith.mulf %broadcast_in_dim3A_177, %sub3A_332 : vector<16xf32>
        %add3A_624 = arith.addf %get3A_326, %mul3A_623 : vector<16xf32>
        %add3A_625 = arith.addf %add3A_622, %add3A_624 : vector<16xf32>
        %swap3A_626 = arith.constant 14 : i32
        %swap3A_627 = arith.index_cast %swap3A_626 : i32 to index
        %swap3A_628 = arith.index_cast %mul3A_322 : i32 to index
        %swap3A_629 = tpu.vector_load %arg6[%swap3A_627, %swap3A_628] {strides = array<i32>} : memref<32x1024xf32, #tpu.memory_space<vmem>>, vector<1x16xf32>,
        %swap3A_630 = vector.shape_cast %swap3A_629 : vector<1x16xf32> to vector<16xf32>
        %swap3A_631 = vector.shape_cast %add3A_625 : vector<16xf32> to vector<1x16xf32>
        tpu.vector_store %arg6[%swap3A_627, %swap3A_628], %swap3A_631 {strides = array<i32>} : memref<32x1024xf32, #tpu.memory_space<vmem>>, vector<1x16xf32>,
        %get3A_632 = arith.constant 15 : i32
        %get3A_633 = arith.index_cast %get3A_632 : i32 to index
        %get3A_634 = arith.index_cast %mul3A_322 : i32 to index
        %get3A_635 = tpu.vector_load %arg6[%get3A_633, %get3A_634] {strides = array<i32>} : memref<32x1024xf32, #tpu.memory_space<vmem>>, vector<1x16xf32>,
        %get3A_636 = vector.shape_cast %get3A_635 : vector<1x16xf32> to vector<16xf32>
        %get3A_637 = arith.constant 15 : i32
        %get3A_638 = arith.index_cast %get3A_637 : i32 to index
        %get3A_639 = arith.index_cast %mul3A_322 : i32 to index
        %get3A_640 = tpu.vector_load %arg7[%get3A_638, %get3A_639] {strides = array<i32>} : memref<32x1024xf32, #tpu.memory_space<vmem>>, vector<1x16xf32>,
        %get3A_641 = vector.shape_cast %get3A_640 : vector<1x16xf32> to vector<16xf32>
        %add3A_642 = arith.addf %get3A_636, %get3A_641 : vector<16xf32>
        %mul3A_643 = arith.mulf %broadcast_in_dim3A_185, %sub3A_332 : vector<16xf32>
        %add3A_644 = arith.addf %get3A_326, %mul3A_643 : vector<16xf32>
        %add3A_645 = arith.addf %add3A_642, %add3A_644 : vector<16xf32>
        %swap3A_646 = arith.constant 15 : i32
        %swap3A_647 = arith.index_cast %swap3A_646 : i32 to index
        %swap3A_648 = arith.index_cast %mul3A_322 : i32 to index
        %swap3A_649 = tpu.vector_load %arg6[%swap3A_647, %swap3A_648] {strides = array<i32>} : memref<32x1024xf32, #tpu.memory_space<vmem>>, vector<1x16xf32>,
        %swap3A_650 = vector.shape_cast %swap3A_649 : vector<1x16xf32> to vector<16xf32>
        %swap3A_651 = vector.shape_cast %add3A_645 : vector<16xf32> to vector<1x16xf32>
        tpu.vector_store %arg6[%swap3A_647, %swap3A_648], %swap3A_651 {strides = array<i32>} : memref<32x1024xf32, #tpu.memory_space<vmem>>, vector<1x16xf32>,
        %get3A_652 = arith.constant 16 : i32
        %get3A_653 = arith.index_cast %get3A_652 : i32 to index
        %get3A_654 = arith.index_cast %mul3A_322 : i32 to index
        %get3A_655 = tpu.vector_load %arg6[%get3A_653, %get3A_654] {strides = array<i32>} : memref<32x1024xf32, #tpu.memory_space<vmem>>, vector<1x16xf32>,
        %get3A_656 = vector.shape_cast %get3A_655 : vector<1x16xf32> to vector<16xf32>
        %get3A_657 = arith.constant 16 : i32
        %get3A_658 = arith.index_cast %get3A_657 : i32 to index
        %get3A_659 = arith.index_cast %mul3A_322 : i32 to index
        %get3A_660 = tpu.vector_load %arg7[%get3A_658, %get3A_659] {strides = array<i32>} : memref<32x1024xf32, #tpu.memory_space<vmem>>, vector<1x16xf32>,
        %get3A_661 = vector.shape_cast %get3A_660 : vector<1x16xf32> to vector<16xf32>
        %add3A_662 = arith.addf %get3A_656, %get3A_661 : vector<16xf32>
        %mul3A_663 = arith.mulf %broadcast_in_dim3A_193, %sub3A_332 : vector<16xf32>
        %add3A_664 = arith.addf %get3A_326, %mul3A_663 : vector<16xf32>
        %add3A_665 = arith.addf %add3A_662, %add3A_664 : vector<16xf32>
        %swap3A_666 = arith.constant 16 : i32
        %swap3A_667 = arith.index_cast %swap3A_666 : i32 to index
        %swap3A_668 = arith.index_cast %mul3A_322 : i32 to index
        %swap3A_669 = tpu.vector_load %arg6[%swap3A_667, %swap3A_668] {strides = array<i32>} : memref<32x1024xf32, #tpu.memory_space<vmem>>, vector<1x16xf32>,
        %swap3A_670 = vector.shape_cast %swap3A_669 : vector<1x16xf32> to vector<16xf32>
        %swap3A_671 = vector.shape_cast %add3A_665 : vector<16xf32> to vector<1x16xf32>
        tpu.vector_store %arg6[%swap3A_667, %swap3A_668], %swap3A_671 {strides = array<i32>} : memref<32x1024xf32, #tpu.memory_space<vmem>>, vector<1x16xf32>,
        %get3A_672 = arith.constant 17 : i32
        %get3A_673 = arith.index_cast %get3A_672 : i32 to index
        %get3A_674 = arith.index_cast %mul3A_322 : i32 to index
        %get3A_675 = tpu.vector_load %arg6[%get3A_673, %get3A_674] {strides = array<i32>} : memref<32x1024xf32, #tpu.memory_space<vmem>>, vector<1x16xf32>,
        %get3A_676 = vector.shape_cast %get3A_675 : vector<1x16xf32> to vector<16xf32>
        %get3A_677 = arith.constant 17 : i32
        %get3A_678 = arith.index_cast %get3A_677 : i32 to index
        %get3A_679 = arith.index_cast %mul3A_322 : i32 to index
        %get3A_680 = tpu.vector_load %arg7[%get3A_678, %get3A_679] {strides = array<i32>} : memref<32x1024xf32, #tpu.memory_space<vmem>>, vector<1x16xf32>,
        %get3A_681 = vector.shape_cast %get3A_680 : vector<1x16xf32> to vector<16xf32>
        %add3A_682 = arith.addf %get3A_676, %get3A_681 : vector<16xf32>
        %mul3A_683 = arith.mulf %broadcast_in_dim3A_201, %sub3A_332 : vector<16xf32>
        %add3A_684 = arith.addf %get3A_326, %mul3A_683 : vector<16xf32>
        %add3A_685 = arith.addf %add3A_682, %add3A_684 : vector<16xf32>
        %swap3A_686 = arith.constant 17 : i32
        %swap3A_687 = arith.index_cast %swap3A_686 : i32 to index
        %swap3A_688 = arith.index_cast %mul3A_322 : i32 to index
        %swap3A_689 = tpu.vector_load %arg6[%swap3A_687, %swap3A_688] {strides = array<i32>} : memref<32x1024xf32, #tpu.memory_space<vmem>>, vector<1x16xf32>,
        %swap3A_690 = vector.shape_cast %swap3A_689 : vector<1x16xf32> to vector<16xf32>
        %swap3A_691 = vector.shape_cast %add3A_685 : vector<16xf32> to vector<1x16xf32>
        tpu.vector_store %arg6[%swap3A_687, %swap3A_688], %swap3A_691 {strides = array<i32>} : memref<32x1024xf32, #tpu.memory_space<vmem>>, vector<1x16xf32>,
        %get3A_692 = arith.constant 18 : i32
        %get3A_693 = arith.index_cast %get3A_692 : i32 to index
        %get3A_694 = arith.index_cast %mul3A_322 : i32 to index
        %get3A_695 = tpu.vector_load %arg6[%get3A_693, %get3A_694] {strides = array<i32>} : memref<32x1024xf32, #tpu.memory_space<vmem>>, vector<1x16xf32>,
        %get3A_696 = vector.shape_cast %get3A_695 : vector<1x16xf32> to vector<16xf32>
        %get3A_697 = arith.constant 18 : i32
        %get3A_698 = arith.index_cast %get3A_697 : i32 to index
        %get3A_699 = arith.index_cast %mul3A_322 : i32 to index
        %get3A_700 = tpu.vector_load %arg7[%get3A_698, %get3A_699] {strides = array<i32>} : memref<32x1024xf32, #tpu.memory_space<vmem>>, vector<1x16xf32>,
        %get3A_701 = vector.shape_cast %get3A_700 : vector<1x16xf32> to vector<16xf32>
        %add3A_702 = arith.addf %get3A_696, %get3A_701 : vector<16xf32>
        %mul3A_703 = arith.mulf %broadcast_in_dim3A_209, %sub3A_332 : vector<16xf32>
        %add3A_704 = arith.addf %get3A_326, %mul3A_703 : vector<16xf32>
        %add3A_705 = arith.addf %add3A_702, %add3A_704 : vector<16xf32>
        %swap3A_706 = arith.constant 18 : i32
        %swap3A_707 = arith.index_cast %swap3A_706 : i32 to index
        %swap3A_708 = arith.index_cast %mul3A_322 : i32 to index
        %swap3A_709 = tpu.vector_load %arg6[%swap3A_707, %swap3A_708] {strides = array<i32>} : memref<32x1024xf32, #tpu.memory_space<vmem>>, vector<1x16xf32>,
        %swap3A_710 = vector.shape_cast %swap3A_709 : vector<1x16xf32> to vector<16xf32>
        %swap3A_711 = vector.shape_cast %add3A_705 : vector<16xf32> to vector<1x16xf32>
        tpu.vector_store %arg6[%swap3A_707, %swap3A_708], %swap3A_711 {strides = array<i32>} : memref<32x1024xf32, #tpu.memory_space<vmem>>, vector<1x16xf32>,
        %get3A_712 = arith.constant 19 : i32
        %get3A_713 = arith.index_cast %get3A_712 : i32 to index
        %get3A_714 = arith.index_cast %mul3A_322 : i32 to index
        %get3A_715 = tpu.vector_load %arg6[%get3A_713, %get3A_714] {strides = array<i32>} : memref<32x1024xf32, #tpu.memory_space<vmem>>, vector<1x16xf32>,
        %get3A_716 = vector.shape_cast %get3A_715 : vector<1x16xf32> to vector<16xf32>
        %get3A_717 = arith.constant 19 : i32
        %get3A_718 = arith.index_cast %get3A_717 : i32 to index
        %get3A_719 = arith.index_cast %mul3A_322 : i32 to index
        %get3A_720 = tpu.vector_load %arg7[%get3A_718, %get3A_719] {strides = array<i32>} : memref<32x1024xf32, #tpu.memory_space<vmem>>, vector<1x16xf32>,
        %get3A_721 = vector.shape_cast %get3A_720 : vector<1x16xf32> to vector<16xf32>
        %add3A_722 = arith.addf %get3A_716, %get3A_721 : vector<16xf32>
        %mul3A_723 = arith.mulf %broadcast_in_dim3A_217, %sub3A_332 : vector<16xf32>
        %add3A_724 = arith.addf %get3A_326, %mul3A_723 : vector<16xf32>
        %add3A_725 = arith.addf %add3A_722, %add3A_724 : vector<16xf32>
        %swap3A_726 = arith.constant 19 : i32
        %swap3A_727 = arith.index_cast %swap3A_726 : i32 to index
        %swap3A_728 = arith.index_cast %mul3A_322 : i32 to index
        %swap3A_729 = tpu.vector_load %arg6[%swap3A_727, %swap3A_728] {strides = array<i32>} : memref<32x1024xf32, #tpu.memory_space<vmem>>, vector<1x16xf32>,
        %swap3A_730 = vector.shape_cast %swap3A_729 : vector<1x16xf32> to vector<16xf32>
        %swap3A_731 = vector.shape_cast %add3A_725 : vector<16xf32> to vector<1x16xf32>
        tpu.vector_store %arg6[%swap3A_727, %swap3A_728], %swap3A_731 {strides = array<i32>} : memref<32x1024xf32, #tpu.memory_space<vmem>>, vector<1x16xf32>,
        %get3A_732 = arith.constant 20 : i32
        %get3A_733 = arith.index_cast %get3A_732 : i32 to index
        %get3A_734 = arith.index_cast %mul3A_322 : i32 to index
        %get3A_735 = tpu.vector_load %arg6[%get3A_733, %get3A_734] {strides = array<i32>} : memref<32x1024xf32, #tpu.memory_space<vmem>>, vector<1x16xf32>,
        %get3A_736 = vector.shape_cast %get3A_735 : vector<1x16xf32> to vector<16xf32>
        %get3A_737 = arith.constant 20 : i32
        %get3A_738 = arith.index_cast %get3A_737 : i32 to index
        %get3A_739 = arith.index_cast %mul3A_322 : i32 to index
        %get3A_740 = tpu.vector_load %arg7[%get3A_738, %get3A_739] {strides = array<i32>} : memref<32x1024xf32, #tpu.memory_space<vmem>>, vector<1x16xf32>,
        %get3A_741 = vector.shape_cast %get3A_740 : vector<1x16xf32> to vector<16xf32>
        %add3A_742 = arith.addf %get3A_736, %get3A_741 : vector<16xf32>
        %mul3A_743 = arith.mulf %broadcast_in_dim3A_225, %sub3A_332 : vector<16xf32>
        %add3A_744 = arith.addf %get3A_326, %mul3A_743 : vector<16xf32>
        %add3A_745 = arith.addf %add3A_742, %add3A_744 : vector<16xf32>
        %swap3A_746 = arith.constant 20 : i32
        %swap3A_747 = arith.index_cast %swap3A_746 : i32 to index
        %swap3A_748 = arith.index_cast %mul3A_322 : i32 to index
        %swap3A_749 = tpu.vector_load %arg6[%swap3A_747, %swap3A_748] {strides = array<i32>} : memref<32x1024xf32, #tpu.memory_space<vmem>>, vector<1x16xf32>,
        %swap3A_750 = vector.shape_cast %swap3A_749 : vector<1x16xf32> to vector<16xf32>
        %swap3A_751 = vector.shape_cast %add3A_745 : vector<16xf32> to vector<1x16xf32>
        tpu.vector_store %arg6[%swap3A_747, %swap3A_748], %swap3A_751 {strides = array<i32>} : memref<32x1024xf32, #tpu.memory_space<vmem>>, vector<1x16xf32>,
        %get3A_752 = arith.constant 21 : i32
        %get3A_753 = arith.index_cast %get3A_752 : i32 to index
        %get3A_754 = arith.index_cast %mul3A_322 : i32 to index
        %get3A_755 = tpu.vector_load %arg6[%get3A_753, %get3A_754] {strides = array<i32>} : memref<32x1024xf32, #tpu.memory_space<vmem>>, vector<1x16xf32>,
        %get3A_756 = vector.shape_cast %get3A_755 : vector<1x16xf32> to vector<16xf32>
        %get3A_757 = arith.constant 21 : i32
        %get3A_758 = arith.index_cast %get3A_757 : i32 to index
        %get3A_759 = arith.index_cast %mul3A_322 : i32 to index
        %get3A_760 = tpu.vector_load %arg7[%get3A_758, %get3A_759] {strides = array<i32>} : memref<32x1024xf32, #tpu.memory_space<vmem>>, vector<1x16xf32>,
        %get3A_761 = vector.shape_cast %get3A_760 : vector<1x16xf32> to vector<16xf32>
        %add3A_762 = arith.addf %get3A_756, %get3A_761 : vector<16xf32>
        %mul3A_763 = arith.mulf %broadcast_in_dim3A_233, %sub3A_332 : vector<16xf32>
        %add3A_764 = arith.addf %get3A_326, %mul3A_763 : vector<16xf32>
        %add3A_765 = arith.addf %add3A_762, %add3A_764 : vector<16xf32>
        %swap3A_766 = arith.constant 21 : i32
        %swap3A_767 = arith.index_cast %swap3A_766 : i32 to index
        %swap3A_768 = arith.index_cast %mul3A_322 : i32 to index
        %swap3A_769 = tpu.vector_load %arg6[%swap3A_767, %swap3A_768] {strides = array<i32>} : memref<32x1024xf32, #tpu.memory_space<vmem>>, vector<1x16xf32>,
        %swap3A_770 = vector.shape_cast %swap3A_769 : vector<1x16xf32> to vector<16xf32>
        %swap3A_771 = vector.shape_cast %add3A_765 : vector<16xf32> to vector<1x16xf32>
        tpu.vector_store %arg6[%swap3A_767, %swap3A_768], %swap3A_771 {strides = array<i32>} : memref<32x1024xf32, #tpu.memory_space<vmem>>, vector<1x16xf32>,
        %get3A_772 = arith.constant 22 : i32
        %get3A_773 = arith.index_cast %get3A_772 : i32 to index
        %get3A_774 = arith.index_cast %mul3A_322 : i32 to index
        %get3A_775 = tpu.vector_load %arg6[%get3A_773, %get3A_774] {strides = array<i32>} : memref<32x1024xf32, #tpu.memory_space<vmem>>, vector<1x16xf32>,
        %get3A_776 = vector.shape_cast %get3A_775 : vector<1x16xf32> to vector<16xf32>
        %get3A_777 = arith.constant 22 : i32
        %get3A_778 = arith.index_cast %get3A_777 : i32 to index
        %get3A_779 = arith.index_cast %mul3A_322 : i32 to index
        %get3A_780 = tpu.vector_load %arg7[%get3A_778, %get3A_779] {strides = array<i32>} : memref<32x1024xf32, #tpu.memory_space<vmem>>, vector<1x16xf32>,
        %get3A_781 = vector.shape_cast %get3A_780 : vector<1x16xf32> to vector<16xf32>
        %add3A_782 = arith.addf %get3A_776, %get3A_781 : vector<16xf32>
        %mul3A_783 = arith.mulf %broadcast_in_dim3A_241, %sub3A_332 : vector<16xf32>
        %add3A_784 = arith.addf %get3A_326, %mul3A_783 : vector<16xf32>
        %add3A_785 = arith.addf %add3A_782, %add3A_784 : vector<16xf32>
        %swap3A_786 = arith.constant 22 : i32
        %swap3A_787 = arith.index_cast %swap3A_786 : i32 to index
        %swap3A_788 = arith.index_cast %mul3A_322 : i32 to index
        %swap3A_789 = tpu.vector_load %arg6[%swap3A_787, %swap3A_788] {strides = array<i32>} : memref<32x1024xf32, #tpu.memory_space<vmem>>, vector<1x16xf32>,
        %swap3A_790 = vector.shape_cast %swap3A_789 : vector<1x16xf32> to vector<16xf32>
        %swap3A_791 = vector.shape_cast %add3A_785 : vector<16xf32> to vector<1x16xf32>
        tpu.vector_store %arg6[%swap3A_787, %swap3A_788], %swap3A_791 {strides = array<i32>} : memref<32x1024xf32, #tpu.memory_space<vmem>>, vector<1x16xf32>,
        %get3A_792 = arith.constant 23 : i32
        %get3A_793 = arith.index_cast %get3A_792 : i32 to index
        %get3A_794 = arith.index_cast %mul3A_322 : i32 to index
        %get3A_795 = tpu.vector_load %arg6[%get3A_793, %get3A_794] {strides = array<i32>} : memref<32x1024xf32, #tpu.memory_space<vmem>>, vector<1x16xf32>,
        %get3A_796 = vector.shape_cast %get3A_795 : vector<1x16xf32> to vector<16xf32>
        %get3A_797 = arith.constant 23 : i32
        %get3A_798 = arith.index_cast %get3A_797 : i32 to index
        %get3A_799 = arith.index_cast %mul3A_322 : i32 to index
        %get3A_800 = tpu.vector_load %arg7[%get3A_798, %get3A_799] {strides = array<i32>} : memref<32x1024xf32, #tpu.memory_space<vmem>>, vector<1x16xf32>,
        %get3A_801 = vector.shape_cast %get3A_800 : vector<1x16xf32> to vector<16xf32>
        %add3A_802 = arith.addf %get3A_796, %get3A_801 : vector<16xf32>
        %mul3A_803 = arith.mulf %broadcast_in_dim3A_249, %sub3A_332 : vector<16xf32>
        %add3A_804 = arith.addf %get3A_326, %mul3A_803 : vector<16xf32>
        %add3A_805 = arith.addf %add3A_802, %add3A_804 : vector<16xf32>
        %swap3A_806 = arith.constant 23 : i32
        %swap3A_807 = arith.index_cast %swap3A_806 : i32 to index
        %swap3A_808 = arith.index_cast %mul3A_322 : i32 to index
        %swap3A_809 = tpu.vector_load %arg6[%swap3A_807, %swap3A_808] {strides = array<i32>} : memref<32x1024xf32, #tpu.memory_space<vmem>>, vector<1x16xf32>,
        %swap3A_810 = vector.shape_cast %swap3A_809 : vector<1x16xf32> to vector<16xf32>
        %swap3A_811 = vector.shape_cast %add3A_805 : vector<16xf32> to vector<1x16xf32>
        tpu.vector_store %arg6[%swap3A_807, %swap3A_808], %swap3A_811 {strides = array<i32>} : memref<32x1024xf32, #tpu.memory_space<vmem>>, vector<1x16xf32>,
        %get3A_812 = arith.constant 24 : i32
        %get3A_813 = arith.index_cast %get3A_812 : i32 to index
        %get3A_814 = arith.index_cast %mul3A_322 : i32 to index
        %get3A_815 = tpu.vector_load %arg6[%get3A_813, %get3A_814] {strides = array<i32>} : memref<32x1024xf32, #tpu.memory_space<vmem>>, vector<1x16xf32>,
        %get3A_816 = vector.shape_cast %get3A_815 : vector<1x16xf32> to vector<16xf32>
        %get3A_817 = arith.constant 24 : i32
        %get3A_818 = arith.index_cast %get3A_817 : i32 to index
        %get3A_819 = arith.index_cast %mul3A_322 : i32 to index
        %get3A_820 = tpu.vector_load %arg7[%get3A_818, %get3A_819] {strides = array<i32>} : memref<32x1024xf32, #tpu.memory_space<vmem>>, vector<1x16xf32>,
        %get3A_821 = vector.shape_cast %get3A_820 : vector<1x16xf32> to vector<16xf32>
        %add3A_822 = arith.addf %get3A_816, %get3A_821 : vector<16xf32>
        %mul3A_823 = arith.mulf %broadcast_in_dim3A_257, %sub3A_332 : vector<16xf32>
        %add3A_824 = arith.addf %get3A_326, %mul3A_823 : vector<16xf32>
        %add3A_825 = arith.addf %add3A_822, %add3A_824 : vector<16xf32>
        %swap3A_826 = arith.constant 24 : i32
        %swap3A_827 = arith.index_cast %swap3A_826 : i32 to index
        %swap3A_828 = arith.index_cast %mul3A_322 : i32 to index
        %swap3A_829 = tpu.vector_load %arg6[%swap3A_827, %swap3A_828] {strides = array<i32>} : memref<32x1024xf32, #tpu.memory_space<vmem>>, vector<1x16xf32>,
        %swap3A_830 = vector.shape_cast %swap3A_829 : vector<1x16xf32> to vector<16xf32>
        %swap3A_831 = vector.shape_cast %add3A_825 : vector<16xf32> to vector<1x16xf32>
        tpu.vector_store %arg6[%swap3A_827, %swap3A_828], %swap3A_831 {strides = array<i32>} : memref<32x1024xf32, #tpu.memory_space<vmem>>, vector<1x16xf32>,
        %get3A_832 = arith.constant 25 : i32
        %get3A_833 = arith.index_cast %get3A_832 : i32 to index
        %get3A_834 = arith.index_cast %mul3A_322 : i32 to index
        %get3A_835 = tpu.vector_load %arg6[%get3A_833, %get3A_834] {strides = array<i32>} : memref<32x1024xf32, #tpu.memory_space<vmem>>, vector<1x16xf32>,
        %get3A_836 = vector.shape_cast %get3A_835 : vector<1x16xf32> to vector<16xf32>
        %get3A_837 = arith.constant 25 : i32
        %get3A_838 = arith.index_cast %get3A_837 : i32 to index
        %get3A_839 = arith.index_cast %mul3A_322 : i32 to index
        %get3A_840 = tpu.vector_load %arg7[%get3A_838, %get3A_839] {strides = array<i32>} : memref<32x1024xf32, #tpu.memory_space<vmem>>, vector<1x16xf32>,
        %get3A_841 = vector.shape_cast %get3A_840 : vector<1x16xf32> to vector<16xf32>
        %add3A_842 = arith.addf %get3A_836, %get3A_841 : vector<16xf32>
        %mul3A_843 = arith.mulf %broadcast_in_dim3A_265, %sub3A_332 : vector<16xf32>
        %add3A_844 = arith.addf %get3A_326, %mul3A_843 : vector<16xf32>
        %add3A_845 = arith.addf %add3A_842, %add3A_844 : vector<16xf32>
        %swap3A_846 = arith.constant 25 : i32
        %swap3A_847 = arith.index_cast %swap3A_846 : i32 to index
        %swap3A_848 = arith.index_cast %mul3A_322 : i32 to index
        %swap3A_849 = tpu.vector_load %arg6[%swap3A_847, %swap3A_848] {strides = array<i32>} : memref<32x1024xf32, #tpu.memory_space<vmem>>, vector<1x16xf32>,
        %swap3A_850 = vector.shape_cast %swap3A_849 : vector<1x16xf32> to vector<16xf32>
        %swap3A_851 = vector.shape_cast %add3A_845 : vector<16xf32> to vector<1x16xf32>
        tpu.vector_store %arg6[%swap3A_847, %swap3A_848], %swap3A_851 {strides = array<i32>} : memref<32x1024xf32, #tpu.memory_space<vmem>>, vector<1x16xf32>,
        %get3A_852 = arith.constant 26 : i32
        %get3A_853 = arith.index_cast %get3A_852 : i32 to index
        %get3A_854 = arith.index_cast %mul3A_322 : i32 to index
        %get3A_855 = tpu.vector_load %arg6[%get3A_853, %get3A_854] {strides = array<i32>} : memref<32x1024xf32, #tpu.memory_space<vmem>>, vector<1x16xf32>,
        %get3A_856 = vector.shape_cast %get3A_855 : vector<1x16xf32> to vector<16xf32>
        %get3A_857 = arith.constant 26 : i32
        %get3A_858 = arith.index_cast %get3A_857 : i32 to index
        %get3A_859 = arith.index_cast %mul3A_322 : i32 to index
        %get3A_860 = tpu.vector_load %arg7[%get3A_858, %get3A_859] {strides = array<i32>} : memref<32x1024xf32, #tpu.memory_space<vmem>>, vector<1x16xf32>,
        %get3A_861 = vector.shape_cast %get3A_860 : vector<1x16xf32> to vector<16xf32>
        %add3A_862 = arith.addf %get3A_856, %get3A_861 : vector<16xf32>
        %mul3A_863 = arith.mulf %broadcast_in_dim3A_273, %sub3A_332 : vector<16xf32>
        %add3A_864 = arith.addf %get3A_326, %mul3A_863 : vector<16xf32>
        %add3A_865 = arith.addf %add3A_862, %add3A_864 : vector<16xf32>
        %swap3A_866 = arith.constant 26 : i32
        %swap3A_867 = arith.index_cast %swap3A_866 : i32 to index
        %swap3A_868 = arith.index_cast %mul3A_322 : i32 to index
        %swap3A_869 = tpu.vector_load %arg6[%swap3A_867, %swap3A_868] {strides = array<i32>} : memref<32x1024xf32, #tpu.memory_space<vmem>>, vector<1x16xf32>,
        %swap3A_870 = vector.shape_cast %swap3A_869 : vector<1x16xf32> to vector<16xf32>
        %swap3A_871 = vector.shape_cast %add3A_865 : vector<16xf32> to vector<1x16xf32>
        tpu.vector_store %arg6[%swap3A_867, %swap3A_868], %swap3A_871 {strides = array<i32>} : memref<32x1024xf32, #tpu.memory_space<vmem>>, vector<1x16xf32>,
        %get3A_872 = arith.constant 27 : i32
        %get3A_873 = arith.index_cast %get3A_872 : i32 to index
        %get3A_874 = arith.index_cast %mul3A_322 : i32 to index
        %get3A_875 = tpu.vector_load %arg6[%get3A_873, %get3A_874] {strides = array<i32>} : memref<32x1024xf32, #tpu.memory_space<vmem>>, vector<1x16xf32>,
        %get3A_876 = vector.shape_cast %get3A_875 : vector<1x16xf32> to vector<16xf32>
        %get3A_877 = arith.constant 27 : i32
        %get3A_878 = arith.index_cast %get3A_877 : i32 to index
        %get3A_879 = arith.index_cast %mul3A_322 : i32 to index
        %get3A_880 = tpu.vector_load %arg7[%get3A_878, %get3A_879] {strides = array<i32>} : memref<32x1024xf32, #tpu.memory_space<vmem>>, vector<1x16xf32>,
        %get3A_881 = vector.shape_cast %get3A_880 : vector<1x16xf32> to vector<16xf32>
        %add3A_882 = arith.addf %get3A_876, %get3A_881 : vector<16xf32>
        %mul3A_883 = arith.mulf %broadcast_in_dim3A_281, %sub3A_332 : vector<16xf32>
        %add3A_884 = arith.addf %get3A_326, %mul3A_883 : vector<16xf32>
        %add3A_885 = arith.addf %add3A_882, %add3A_884 : vector<16xf32>
        %swap3A_886 = arith.constant 27 : i32
        %swap3A_887 = arith.index_cast %swap3A_886 : i32 to index
        %swap3A_888 = arith.index_cast %mul3A_322 : i32 to index
        %swap3A_889 = tpu.vector_load %arg6[%swap3A_887, %swap3A_888] {strides = array<i32>} : memref<32x1024xf32, #tpu.memory_space<vmem>>, vector<1x16xf32>,
        %swap3A_890 = vector.shape_cast %swap3A_889 : vector<1x16xf32> to vector<16xf32>
        %swap3A_891 = vector.shape_cast %add3A_885 : vector<16xf32> to vector<1x16xf32>
        tpu.vector_store %arg6[%swap3A_887, %swap3A_888], %swap3A_891 {strides = array<i32>} : memref<32x1024xf32, #tpu.memory_space<vmem>>, vector<1x16xf32>,
        %get3A_892 = arith.constant 28 : i32
        %get3A_893 = arith.index_cast %get3A_892 : i32 to index
        %get3A_894 = arith.index_cast %mul3A_322 : i32 to index
        %get3A_895 = tpu.vector_load %arg6[%get3A_893, %get3A_894] {strides = array<i32>} : memref<32x1024xf32, #tpu.memory_space<vmem>>, vector<1x16xf32>,
        %get3A_896 = vector.shape_cast %get3A_895 : vector<1x16xf32> to vector<16xf32>
        %get3A_897 = arith.constant 28 : i32
        %get3A_898 = arith.index_cast %get3A_897 : i32 to index
        %get3A_899 = arith.index_cast %mul3A_322 : i32 to index
        %get3A_900 = tpu.vector_load %arg7[%get3A_898, %get3A_899] {strides = array<i32>} : memref<32x1024xf32, #tpu.memory_space<vmem>>, vector<1x16xf32>,
        %get3A_901 = vector.shape_cast %get3A_900 : vector<1x16xf32> to vector<16xf32>
        %add3A_902 = arith.addf %get3A_896, %get3A_901 : vector<16xf32>
        %mul3A_903 = arith.mulf %broadcast_in_dim3A_289, %sub3A_332 : vector<16xf32>
        %add3A_904 = arith.addf %get3A_326, %mul3A_903 : vector<16xf32>
        %add3A_905 = arith.addf %add3A_902, %add3A_904 : vector<16xf32>
        %swap3A_906 = arith.constant 28 : i32
        %swap3A_907 = arith.index_cast %swap3A_906 : i32 to index
        %swap3A_908 = arith.index_cast %mul3A_322 : i32 to index
        %swap3A_909 = tpu.vector_load %arg6[%swap3A_907, %swap3A_908] {strides = array<i32>} : memref<32x1024xf32, #tpu.memory_space<vmem>>, vector<1x16xf32>,
        %swap3A_910 = vector.shape_cast %swap3A_909 : vector<1x16xf32> to vector<16xf32>
        %swap3A_911 = vector.shape_cast %add3A_905 : vector<16xf32> to vector<1x16xf32>
        tpu.vector_store %arg6[%swap3A_907, %swap3A_908], %swap3A_911 {strides = array<i32>} : memref<32x1024xf32, #tpu.memory_space<vmem>>, vector<1x16xf32>,
        %get3A_912 = arith.constant 29 : i32
        %get3A_913 = arith.index_cast %get3A_912 : i32 to index
        %get3A_914 = arith.index_cast %mul3A_322 : i32 to index
        %get3A_915 = tpu.vector_load %arg6[%get3A_913, %get3A_914] {strides = array<i32>} : memref<32x1024xf32, #tpu.memory_space<vmem>>, vector<1x16xf32>,
        %get3A_916 = vector.shape_cast %get3A_915 : vector<1x16xf32> to vector<16xf32>
        %get3A_917 = arith.constant 29 : i32
        %get3A_918 = arith.index_cast %get3A_917 : i32 to index
        %get3A_919 = arith.index_cast %mul3A_322 : i32 to index
        %get3A_920 = tpu.vector_load %arg7[%get3A_918, %get3A_919] {strides = array<i32>} : memref<32x1024xf32, #tpu.memory_space<vmem>>, vector<1x16xf32>,
        %get3A_921 = vector.shape_cast %get3A_920 : vector<1x16xf32> to vector<16xf32>
        %add3A_922 = arith.addf %get3A_916, %get3A_921 : vector<16xf32>
        %mul3A_923 = arith.mulf %broadcast_in_dim3A_297, %sub3A_332 : vector<16xf32>
        %add3A_924 = arith.addf %get3A_326, %mul3A_923 : vector<16xf32>
        %add3A_925 = arith.addf %add3A_922, %add3A_924 : vector<16xf32>
        %swap3A_926 = arith.constant 29 : i32
        %swap3A_927 = arith.index_cast %swap3A_926 : i32 to index
        %swap3A_928 = arith.index_cast %mul3A_322 : i32 to index
        %swap3A_929 = tpu.vector_load %arg6[%swap3A_927, %swap3A_928] {strides = array<i32>} : memref<32x1024xf32, #tpu.memory_space<vmem>>, vector<1x16xf32>,
        %swap3A_930 = vector.shape_cast %swap3A_929 : vector<1x16xf32> to vector<16xf32>
        %swap3A_931 = vector.shape_cast %add3A_925 : vector<16xf32> to vector<1x16xf32>
        tpu.vector_store %arg6[%swap3A_927, %swap3A_928], %swap3A_931 {strides = array<i32>} : memref<32x1024xf32, #tpu.memory_space<vmem>>, vector<1x16xf32>,
        %get3A_932 = arith.constant 30 : i32
        %get3A_933 = arith.index_cast %get3A_932 : i32 to index
        %get3A_934 = arith.index_cast %mul3A_322 : i32 to index
        %get3A_935 = tpu.vector_load %arg6[%get3A_933, %get3A_934] {strides = array<i32>} : memref<32x1024xf32, #tpu.memory_space<vmem>>, vector<1x16xf32>,
        %get3A_936 = vector.shape_cast %get3A_935 : vector<1x16xf32> to vector<16xf32>
        %get3A_937 = arith.constant 30 : i32
        %get3A_938 = arith.index_cast %get3A_937 : i32 to index
        %get3A_939 = arith.index_cast %mul3A_322 : i32 to index
        %get3A_940 = tpu.vector_load %arg7[%get3A_938, %get3A_939] {strides = array<i32>} : memref<32x1024xf32, #tpu.memory_space<vmem>>, vector<1x16xf32>,
        %get3A_941 = vector.shape_cast %get3A_940 : vector<1x16xf32> to vector<16xf32>
        %add3A_942 = arith.addf %get3A_936, %get3A_941 : vector<16xf32>
        %mul3A_943 = arith.mulf %broadcast_in_dim3A_305, %sub3A_332 : vector<16xf32>
        %add3A_944 = arith.addf %get3A_326, %mul3A_943 : vector<16xf32>
        %add3A_945 = arith.addf %add3A_942, %add3A_944 : vector<16xf32>
        %swap3A_946 = arith.constant 30 : i32
        %swap3A_947 = arith.index_cast %swap3A_946 : i32 to index
        %swap3A_948 = arith.index_cast %mul3A_322 : i32 to index
        %swap3A_949 = tpu.vector_load %arg6[%swap3A_947, %swap3A_948] {strides = array<i32>} : memref<32x1024xf32, #tpu.memory_space<vmem>>, vector<1x16xf32>,
        %swap3A_950 = vector.shape_cast %swap3A_949 : vector<1x16xf32> to vector<16xf32>
        %swap3A_951 = vector.shape_cast %add3A_945 : vector<16xf32> to vector<1x16xf32>
        tpu.vector_store %arg6[%swap3A_947, %swap3A_948], %swap3A_951 {strides = array<i32>} : memref<32x1024xf32, #tpu.memory_space<vmem>>, vector<1x16xf32>,
        %get3A_952 = arith.constant 31 : i32
        %get3A_953 = arith.index_cast %get3A_952 : i32 to index
        %get3A_954 = arith.index_cast %mul3A_322 : i32 to index
        %get3A_955 = tpu.vector_load %arg6[%get3A_953, %get3A_954] {strides = array<i32>} : memref<32x1024xf32, #tpu.memory_space<vmem>>, vector<1x16xf32>,
        %get3A_956 = vector.shape_cast %get3A_955 : vector<1x16xf32> to vector<16xf32>
        %get3A_957 = arith.constant 31 : i32
        %get3A_958 = arith.index_cast %get3A_957 : i32 to index
        %get3A_959 = arith.index_cast %mul3A_322 : i32 to index
        %get3A_960 = tpu.vector_load %arg7[%get3A_958, %get3A_959] {strides = array<i32>} : memref<32x1024xf32, #tpu.memory_space<vmem>>, vector<1x16xf32>,
        %get3A_961 = vector.shape_cast %get3A_960 : vector<1x16xf32> to vector<16xf32>
        %add3A_962 = arith.addf %get3A_956, %get3A_961 : vector<16xf32>
        %mul3A_963 = arith.mulf %broadcast_in_dim3A_313, %sub3A_332 : vector<16xf32>
        %add3A_964 = arith.addf %get3A_326, %mul3A_963 : vector<16xf32>
        %add3A_965 = arith.addf %add3A_962, %add3A_964 : vector<16xf32>
        %swap3A_966 = arith.constant 31 : i32
        %swap3A_967 = arith.index_cast %swap3A_966 : i32 to index
        %swap3A_968 = arith.index_cast %mul3A_322 : i32 to index
        %swap3A_969 = tpu.vector_load %arg6[%swap3A_967, %swap3A_968] {strides = array<i32>} : memref<32x1024xf32, #tpu.memory_space<vmem>>, vector<1x16xf32>,
        %swap3A_970 = vector.shape_cast %swap3A_969 : vector<1x16xf32> to vector<16xf32>
        %swap3A_971 = vector.shape_cast %add3A_965 : vector<16xf32> to vector<1x16xf32>
        tpu.vector_store %arg6[%swap3A_967, %swap3A_968], %swap3A_971 {strides = array<i32>} : memref<32x1024xf32, #tpu.memory_space<vmem>>, vector<1x16xf32>,
      }
      %scan3A_319 = arith.constant 64 : i32
      "tpu.region"() ({
        %run_scoped3A = tpu.sem_alloc : memref<!tpu.dma_semaphore, #tpu.memory_space<semaphore_mem>>
        %dma_start3A_320 = arith.constant 0 : i32
        %dma_start3A_321 = tpu.memref_slice %arg5[%select_n3A, %add3A_41, %dma_start3A_320] : memref<4x8192x1024xf32, #tpu.memory_space<hbm>> -> memref<1x32x1024xf32, #tpu.memory_space<hbm>>
        %dma_start3A_322 = tpu.memref_squeeze %dma_start3A_321 : memref<1x32x1024xf32, #tpu.memory_space<hbm>> -> memref<32x1024xf32, #tpu.memory_space<hbm>>
        %dma_start3A_323 = arith.constant 0 : i32
        %dma_start3A_324 = tpu.memref_slice %arg5[%select_n3A, %add3A_41, %dma_start3A_323] : memref<4x8192x1024xf32, #tpu.memory_space<hbm>> -> memref<1x32x1024xf32, #tpu.memory_space<hbm>>
        %dma_start3A_325 = tpu.memref_squeeze %dma_start3A_324 : memref<1x32x1024xf32, #tpu.memory_space<hbm>> -> memref<32x1024xf32, #tpu.memory_space<hbm>>
        tpu.enqueue_dma source(%arg6 : memref<32x1024xf32, #tpu.memory_space<vmem>>) target(%dma_start3A_325 : memref<32x1024xf32, #tpu.memory_space<hbm>>) target_semaphore(%run_scoped3A : memref<!tpu.dma_semaphore, #tpu.memory_space<semaphore_mem>>)
        %dma_wait3A_326 = arith.constant 0 : i32
        %dma_wait3A_327 = tpu.memref_slice %arg5[%select_n3A, %add3A_41, %dma_wait3A_326] : memref<4x8192x1024xf32, #tpu.memory_space<hbm>> -> memref<1x32x1024xf32, #tpu.memory_space<hbm>>
        %dma_wait3A_328 = tpu.memref_squeeze %dma_wait3A_327 : memref<1x32x1024xf32, #tpu.memory_space<hbm>> -> memref<32x1024xf32, #tpu.memory_space<hbm>>
        %dma_wait3A_329 = arith.constant 0 : i32
        %dma_wait3A_330 = tpu.memref_slice %arg5[%select_n3A, %add3A_41, %dma_wait3A_329] : memref<4x8192x1024xf32, #tpu.memory_space<hbm>> -> memref<1x32x1024xf32, #tpu.memory_space<hbm>>
        %dma_wait3A_331 = tpu.memref_squeeze %dma_wait3A_330 : memref<1x32x1024xf32, #tpu.memory_space<hbm>> -> memref<32x1024xf32, #tpu.memory_space<hbm>>
        tpu.wait_dma2 semaphore(%run_scoped3A : memref<!tpu.dma_semaphore, #tpu.memory_space<semaphore_mem>>) src(%arg6 : memref<32x1024xf32, #tpu.memory_space<vmem>>) dst(%dma_wait3A_331 : memref<32x1024xf32, #tpu.memory_space<hbm>>)
        tpu.yield
      }) : () -> ()
    }
    %scan3A_37 = arith.constant 32 : i32
    return
  }
}

</mosaic_0001>

<sc_bundles>
// kernel: kernel.3.cloned.1.call-start
scs
__scs_entry_jumppad:
0x0: {  	(pc) =	sbr.rel $0x88, $3  }
0x1: {  	(tag) =	ssettag $0x0;
	lr =	simm.s32 $0x1  }
0x2: {  	[smem:$0x3F9E] =	sst lr;
	_ =	strace $0xD0000000  }
0x3: {  	_ = 	snop  }
0x4: {  	_ = 	snop  }
0x5: {  	_ = 	snop  }
0x6: {  	_ = 	snop  }
0x7: {  	_ = 	snop  }
__scs_overlays_trampoline_lowered:
0x8: {  	[smem:$0x3FAD] =	sst s0  }
0x9: {  	[smem:$0x3FAE] =	sst s1  }
0xa: {  	[smem:$0x3FAF] =	sst s2  }
0xb: {  	[smem:$0x3FB0] =	sst s3  }
0xc: {  	[smem:$0x3FB1] =	sst s4  }
0xd: {  	[smem:$0x3FB2] =	sst s5  }
0xe: {  	[smem:$0x3FB3] =	sst s6  }
0xf: {  	[smem:$0x3FB4] =	sst s7  }
0x10: {  	[smem:$0x3FB5] =	sst s8  }
0x11: {  	[smem:$0x3FB6] =	sst s9;
	s0 =	simm.s32 @!p0 $0x0  }
0x12: {  	s1 =	sld [smem:$0x3F9C];
	s0 =	simm.s32 @p0 $0x1  }
0x13: {  	[smem:$0x3FB7] =	sst s0;
	s0 =	simm.s32 @!p1 $0x0  }
0x14: {  	s2 =	sld [smem:$0x3F9B];
	s0 =	simm.s32 @p1 $0x1  }
0x15: {  	[smem:$0x3FB8] =	sst s0;
	s0 =	simm.s32 @!p2 $0x0  }
0x16: {  	s3 =	sld [smem:$0x3FDB];
	s0 =	simm.s32 @p2 $0x1  }
0x17: {  	s4 =	simm.s32 $0x1BF5;
	[smem:$0x3FBA] =	sst s0  }
0x18: {  	s0 =	sld [smem:$0x3F9D];
	_ =	swait.ge [sflag:s4], $0x0  }
0x19: {  	s7 =	sld [smem:$0x3F9E]  }
0x1a: {  	s8 =	sadd.s32 $0xFFFFE003, lr  }
0x1b: {  	s9 =	sadd.s32 $0xFFFFFEF7, lr;
	s5 =	simm.s32 $0xFFFFFFFF;
	p2 =	slt.u32 s8, $0xFFFFF086  }
0x1c: {  	p1 =	slt.u32 s9, $0xF7A;
	s5 =	simm.s32 @!p2 $0x0  }
0x1d: {  	s5 =	simm.s32 @p1 $0x1;
	p0 =	seq.s32 s7, s2  }
0x1e: {  	s7 =	smul.u32 @!p0 $0xF7A, s2;
	p2 =	seq.s32 @!p0 s5, $0x0  }
0x1f: {  	s9 =	smul.u32 $0xF7A, s1;
	s8 =	simm.s32 @!p0 $0x1BF5;
	p2 =	por !p2, p0  }
0x20: {  	[sflag:s8] =	ssyncset.s32 @!p0 $0xFFFFF086;
	s6 =	sadd.s32 @!p0 s3, s7;
	s7 =	simm.s32 @!p0 $0x108  }
0x21: {  	s3 =	sadd.s32 s3, s9;
	s6 =	sadd.s32 @!p0 $0x88, s6;
	s7 =	simm.s32 @p2 $0x1082  }
0x22: {  	[simem:s7], [sflag:s8] =	dma.local @!p0 [hbm:s6], $0xF7A  }
0x23: {  	s9 =	sor.u32 $0xD0000000, s2;
	s6 =	simm.s32 $0x108;
	_ =	swait.ge @!p0 [sflag:s8], $0x0  }
0x24: {  	s3 =	sadd.s32 $0x88, s3;
	s6 =	simm.s32 @!p1 $0x1082;
	[sflag:s4] =	ssyncset.s32 $0xFFFFF086  }
0x25: {  	[simem:s6], [sflag:s4] =	dma.local [hbm:s3], $0xF7A  }
0x26: {  	[smem:$0x3F9E] =	sst s1;
	(tag) =	ssettag s2;
	_ =	strace s9  }
0x27: {  	s1 =	sld [smem:$0x3FAE]  }
0x28: {  	s2 =	sld [smem:$0x3FAF]  }
0x29: {  	s4 =	sld [smem:$0x3FB1]  }
0x2a: {  	p0 =	seq.s32 s5, $0x0;
	s5 =	sld [smem:$0x3FB2]  }
0x2b: {  	s6 =	sld [smem:$0x3FB3]  }
0x2c: {  	s7 =	sld [smem:$0x3FB4]  }
0x2d: {  	s3 =	simm.s32 $0x108;
	s8 =	sld [smem:$0x3FB5]  }
0x2e: {  	s3 =	simm.s32 @!p0 $0x1082;
	s9 =	sld [smem:$0x3FB6]  }
0x2f: {  	lr =	sadd.s32 s0, s3;
	s0 =	sld [smem:$0x3FAD]  }
0x30: {  	s3 =	sld [smem:$0x3FB0]  }
0x31: {  	[smem:$0x3FB9] =	sst s10  }
0x32: {  	s10 =	sld [smem:$0x3FB7];
	_ =	sdelay $0x3  }
0x33: {  	p0 =	seq.s32 s10, $0x1;
	s10 =	sld [smem:$0x3FB9];
	_ =	sdelay $0x3  }
0x34: {  	[smem:$0x3FB9] =	sst s10  }
0x35: {  	s10 =	sld [smem:$0x3FB8];
	_ =	sdelay $0x3  }
0x36: {  	p1 =	seq.s32 s10, $0x1;
	s10 =	sld [smem:$0x3FB9];
	_ =	sdelay $0x3  }
0x37: {  	[smem:$0x3FB9] =	sst s10  }
0x38: {  	s10 =	sld [smem:$0x3FBA]  }
0x39: {  	_ = 	snop;
	(pc) =	sbr.ind lr, $3  }
0x3a: {  	_ = 	snop  }
0x3b: {  	_ = 	snop  }
0x3c: {  	p2 =	seq.s32 s10, $0x1;
	s10 =	sld [smem:$0x3FB9]  }
0x3d: {  	_ =	shalt  }
0x3e: {  	_ =	shalt  }
0x3f: {  	_ =	shalt  }
0x40: {  	_ =	shalt  }
0x41: {  	_ =	shalt  }
0x42: {  	_ =	shalt  }
0x43: {  	_ =	shalt  }
0x44: {  	_ =	shalt  }
0x45: {  	_ =	shalt  }
0x46: {  	_ =	shalt  }
0x47: {  	_ =	shalt  }
0x48: {  	_ =	shalt  }
0x49: {  	_ =	shalt  }
0x4a: {  	_ =	shalt  }
0x4b: {  	_ =	shalt  }
0x4c: {  	_ =	shalt  }
0x4d: {  	_ =	shalt  }
0x4e: {  	_ =	shalt  }
0x4f: {  	_ =	shalt  }
0x50: {  	_ =	shalt  }
0x51: {  	_ =	shalt  }
0x52: {  	_ =	shalt  }
0x53: {  	_ =	shalt  }
0x54: {  	_ =	shalt  }
0x55: {  	_ =	shalt  }
0x56: {  	_ =	shalt  }
0x57: {  	_ =	shalt  }
0x58: {  	_ =	shalt  }
0x59: {  	_ =	shalt  }
0x5a: {  	_ =	shalt  }
0x5b: {  	_ =	shalt  }
0x5c: {  	_ =	shalt  }
0x5d: {  	_ =	shalt  }
0x5e: {  	_ =	shalt  }
0x5f: {  	_ =	shalt  }
0x60: {  	_ =	shalt  }
0x61: {  	_ =	shalt  }
0x62: {  	_ =	shalt  }
0x63: {  	_ =	shalt  }
0x64: {  	_ =	shalt  }
0x65: {  	_ =	shalt  }
0x66: {  	_ =	shalt  }
0x67: {  	_ =	shalt  }
0x68: {  	_ =	shalt  }
0x69: {  	_ =	shalt  }
0x6a: {  	_ =	shalt  }
0x6b: {  	_ =	shalt  }
0x6c: {  	_ =	shalt  }
0x6d: {  	_ =	shalt  }
0x6e: {  	_ =	shalt  }
0x6f: {  	_ =	shalt  }
0x70: {  	_ =	shalt  }
0x71: {  	_ =	shalt  }
0x72: {  	_ =	shalt  }
0x73: {  	_ =	shalt  }
0x74: {  	_ =	shalt  }
0x75: {  	_ =	shalt  }
0x76: {  	_ =	shalt  }
0x77: {  	_ =	shalt  }
0x78: {  	_ =	shalt  }
0x79: {  	_ =	shalt  }
0x7a: {  	_ =	shalt  }
0x7b: {  	_ =	shalt  }
0x7c: {  	_ =	shalt  }
0x7d: {  	_ =	shalt  }
0x7e: {  	_ =	shalt  }
0x7f: {  	_ =	shalt  }
0x80: {  	_ =	shalt  }
0x81: {  	_ =	shalt  }
0x82: {  	_ =	shalt  }
0x83: {  	_ =	shalt  }
0x84: {  	_ =	shalt  }
0x85: {  	_ =	shalt  }
0x86: {  	_ =	shalt  }
0x87: {  	_ =	shalt  }
.Lfunc_end0:
.L_simem_size_0:
called_computation_lowered:
.L_overlay_start_0:
0x88: {  	s2 =	sld [smem:$0x3FD9]  }
0x89: {  	s3 =	sld [smem:$0x3FFE];
	_ =	sdelay $0x1  }
0x8a: {  	s1 =	srdreg.scid  }
0x8b: {  	s0 =	sand.u32 $0x1, s1  }
0x8c: {  	s18 =	sshll.u32 s0, $0xA;
	s2 =	sadd.s32 s3, s2  }
0x8d: {  	s2 =	sadd.s32 s2, s18  }
0x8e: {  	[smem:$0x3FC5] =	sst s2  }
0x8f: {  	_ = 	snop  }
0x90: {  	s2 =	sld [smem:$0x3FC9]  }
0x91: {  	s19 =	sld [smem:$0x3FC8]  }
0x92: {  	s4 =	sld [smem:$0x3FC7]  }
0x93: {  	s5 =	sld [smem:$0x3FD0];
	(tm) =	ssettm $0x1  }
0x94: {  	s6 =	sld [smem:$0x3FFB];
	_ =	sdelay $0x3  }
0x95: {  	_ =	strace s6  }
0x96: {  	s6 =	sld [smem:$0x3FFC];
	_ =	sdelay $0x3  }
0x97: {  	_ =	strace s6  }
0x98: {  	s6 =	sld [smem:$0x3FFD];
	_ =	sdelay $0x3  }
0x99: {  	_ =	strace s6  }
0x9a: {  	_ =	strace $0x8FFFFFFF  }
0x9b: {  	s20 =	sld [smem:$0x3FDB];
	_ =	sdelay $0x1  }
0x9c: {  	s7 =	simm.s32 $_scs_section_size  }
0x9d: {  	s8 =	simm.s32 $_size__tile_overlayer_lowered;
	s9 =	simm.s32 $_tile_overlayer_lowered  }
0x9e: {  	s23 =	simm.s32 $0x1BFF;
	s22 =	sshll.u32 s9, $0x1;
	s6 =	sadd.s32 s7, s20  }
0x9f: {  	s10 =	simm.s32 $0x0;
	s21 =	sshll.u32 s8, $0x1;
	s8 =	sadd.s32 s22, s6  }
0xa0: {  	[timem:s10], [sflag:s23] =	dma.local [hbm:s8], s21  }
0xa1: {  	_ =	swait.ge [sflag:s23], s21  }
0xa2: {  	s7 =	ssub.s32 $0x0, s21;
	[sflag:s23] =	ssyncset.done $0x0  }
0xa3: {  	[sflag:s23] =	ssyncadd.s32 s7;
	_ =	sdelay $0x1  }
0xa4: {  	s24 =	simm.s32 $0x1B8B  }
0xa5: {  	_ =	swait.ge [sflag:s24], $0x1  }
0xa6: {  	[sflag:s24] =	ssyncset.done $0x0  }
0xa7: {  	s25 =	simm.s32 $0x1B8E;
	[sflag:s24] =	ssyncadd.s32 $0xFFFFFFFF  }
0xa8: {  	s26 =	simm.s32 $execute0_lowered;
	[smem:$0x3FD2] =	sst s25  }
0xa9: {  	s7 =	sshll.u32 s26, $0x1;
	_ =	strace $0x80000046;
	[dreg:$0x1] =	wrdreg $0xFFFFFFFF  }
0xaa: {  	s28 =	simm.s32 $_size_execute0_lowered;
	s6 =	sadd.s32 s6, s7;
	[dreg:$0x0] =	wrdreg $0x0  }
0xab: {  	s7 =	sshll.u32 s28, $0x1;
	[dreg:$0x2] =	wrdreg s6  }
0xac: {  	[dreg:$0x3] =	wrdreg s7  }
0xad: {  	[dreg:$0x4] =	wrdreg $0xC0  }
0xae: {  	_ =	task [dreg:s10], $0x5FFFF  }
0xaf: {  	[dreg:$0x1] =	wrdreg $0xFFFFFFFF  }
0xb0: {  	[dreg:$0x0] =	wrdreg $0x60  }
0xb1: {  	[dreg:$0x2] =	wrdreg s2  }
0xb2: {  	[dreg:$0x3] =	wrdreg s19  }
0xb3: {  	[dreg:$0x4] =	wrdreg s4  }
0xb4: {  	[dreg:$0x5] =	wrdreg s5  }
0xb5: {  	[dreg:$0x6] =	wrdreg $0x9  }
0xb6: {  	_ =	task.clear_ibuf [dreg:s10], $0x7FFFF;
	_ =	strace $0x90000046  }
0xb7: {  	s29 =	simm.s32 $0x9;
	_ =	strace $0x80000048  }
0xb8: {  	_ =	swait.ge [sflag:s29], $0x1  }
0xb9: {  	[sflag:s29] =	ssyncadd.s32 $0xFFFFFFFF  }
0xba: {  	_ =	strace $0x90000048  }
0xbb: {  	_ =	sfence  }
0xbc: {  	s30 =	sld [smem:$0x0];
	_ =	sdelay $0x2  }
0xbd: {  	s31 =	sshll.u32 s1, $0xD;
	s1 =	sshrl.u32 s1, $0x2  }
0xbe: {  	s3 =	sand.u32 $0x4000, s31;
	s1 =	sadd.s32 s1, s30  }
0xbf: {  	s0 =	sor.u32 s3, s0;
	s1 =	sshll.u32 s1, $0x11  }
0xc0: {  	s0 =	sor.u32 s1, s0  }
0xc1: {  	s0 =	sadd.s32 $0x8F2B, s0  }
0xc2: {  	[sflag:s0] =	ssyncadd.remote.s32 $0x1  }
0xc3: {  	_ =	sfence.sel $0xFFFF  }
0xc4: {  	[dreg:$0x0] =	wrdreg $0xFFFFFFFF;
	(pc) =	sbr.abs _section_cstart, $3  }
0xc5: {  	[dreg:$0x1] =	wrdreg $0xFFFFFFFF  }
0xc6: {  	_ =	task.clear_ibuf [dreg:s10], $0x2FFFF;
	_ =	strace $0x9FFFFFFF  }
0xc7: {  	(tm) =	ssettm $0x7FFFFFFF  }
tec
execute0_lowered:
.L_overlay_start_1:
0x0: {  	(tag) =	ssettag $0x1  }
0x1: {  	s1 =	rddreg [dreg:$0x0]  }
0x2: {  	s2 =	rddreg [dreg:$0x1]  }
0x3: {  	s3 =	rddreg [dreg:$0x2]  }
0x4: {  	s5 =	rddreg [dreg:$0x3]  }
0x5: {  	s0 =	rddreg [dreg:$0x4]  }
0x6: {  	s6 =	simm.s32 $0x0;
	s7 =	srdreg.scid;
	s4 =	stileid.u32  }
0x7: {  	s11 =	simm.s32 $0x2;
	s12 =	simm.s32 $0x8000;
	s13 =	simm.s32 $0x1  }
0x8: {  	s14 =	simm.s32 $0x0;
	[smem:$0x7FF] =	sst s6;
	s7 =	sand.u32 $0x1, s7  }
0x9: {  	s8 =	sshll.u32 s4, $0x1;
	s31 =	sshll.u32 s4, $0x12;
	s9 =	ssub.s32 $0x2, s7  }
0xa: {  	_ =	strace $0x80000047;
	s8 =	sand.u32 $0x6, s8;
	s10 =	sshrl.u32 s9, $0x1  }
0xb: {  	s7 =	sor.u32 s7, s8;
	s8 =	sand.u32 $0x300000, s31;
	s9 =	ssub.s32 s9, s10  }
0xc: {  	s7 =	sshll.u32 s7, $0xA;
	s10 =	simm.s32 $0x10000;
	s9 =	smax.u32 s9, $0x1  }
.LBB2_1:
0xd: {  	[tilespmem:s10], [sflag:$0x2] =	stream.linear.gather [hbm4b:s3+s6], $0x800, $0x38;
	[tilespmem:$0x10800] =	vst v63  }
0xe: {  	_ =	swait.ge [sflag:s11], $0x800  }
0xf: {  	[sflag:s11] =	ssyncset.done $0x0  }
0x10: {  	s15 =	simm.s32 $0x0;
	[sflag:s11] =	ssyncadd.s32 $0xFFFFF800  }
.LBB2_2:
0x11: {  	s16 =	sshll.u32 s15, $0x5  }
0x12: {  	s20 =	sadd.s32 s7, s16  }
0x13: {  	s18 =	sshll.u32 s20, $0x7  }
0x14: {  	s16 =	sor.u32 s8, s18  }
0x15: {  	s17 =	simm.s32 $0x0;
	s19 =	sadd.s32 s1, s16  }
0x16: {  	[tilespmem:s17], [sflag:$0x1] =	stream.linear.gather [hbm4b:s19+s17], $0x8000, $0x38;
	[tilespmem:$0x10800] =	vst v63  }
0x17: {  	s18 =	sadd.s32 s2, s18  }
0x18: {  	[tilespmem:s12], [sflag:$0x1] =	stream.linear.gather [hbm4b:s18+s17], $0x8000, $0x38;
	[tilespmem:$0x10800] =	vst v63  }
0x19: {  	_ =	swait.ge [sflag:s13], $0x8000  }
0x1a: {  	[sflag:s13] =	ssyncset.done $0x0  }
0x1b: {  	[sflag:s13] =	ssyncadd.s32 $0xFFFF8000  }
0x1c: {  	_ =	swait.ge [sflag:s13], $0x8000  }
0x1d: {  	s25 =	sand.u32 $0x7FFFFC00, s17;
	s21 =	sand.u32 $0x70, s17;
	[sflag:s13] =	ssyncset.done $0x0  }
0x1e: {  	s18 =	sor.u32 s21, s25;
	[sflag:s13] =	ssyncadd.s32 $0xFFFF8000  }
0x1f: {  	s19 =	sshrl.u32 s25, $0x2;
	v4 =	vld [tilespmem:s18+$0x8300]  }
0x20: {  	s19 =	sor.u32 s21, s19;
	v6 =	vld [tilespmem:s18+$0x8100]  }
0x21: {  	s21 =	sadd.s32 $0x10000, s19;
	v28 =	vld [tilespmem:s19+$0x10000]  }
0x22: {  	v0 =	vld [tilespmem:s21+$0x80]  }
0x23: {  	v7 =	vld [tilespmem:s18+$0x100]  }
0x24: {  	v9 =	vld [tilespmem:s18+$0x8180]  }
0x25: {  	v10 =	vld [tilespmem:s18+$0x300]  }
0x26: {  	p0 =	sgt.u32 s20, $0x1000;
	s19 =	simm.f32 $1.000000000e+00;
	v11 =	vld [tilespmem:s18+$0x180]  }
0x27: {  	v5 =	vld [tilespmem:s18+$0x8280];
	s21 =	simm.f32 $1.000000000e+00;
	s19 =	simm.s32 @!p0 $0x0;
	p0 =	sgt.u32 s20, $0xFFD  }
0x28: {  	s22 =	simm.f32 $1.000000000e+00;
	v12 =	vld [tilespmem:s18+$0x280];
	s21 =	simm.s32 @!p0 $0x0;
	p0 =	sgt.u32 s20, $0xFFA  }
0x29: {  	v8 =	vld [tilespmem:s18+$0x8080];
	v1 =	vmov s19;
	s22 =	simm.s32 @!p0 $0x0;
	v29 =	vsub.f32 v0, v28  }
0x2a: {  	p1 =	sgt.u32 s20, $0xFFB;
	v13 =	vld [tilespmem:s18+$0x8000];
	v2 =	vmov s22;
	v0 =	vmov s21;
	s21 =	simm.f32 $1.000000000e+00;
	v6 =	vadd.f32 v6, v7  }
0x2b: {  	v7 =	vld [tilespmem:s18+$0x0];
	v10 =	vadd.f32 v4, v10;
	v9 =	vadd.f32 v9, v11;
	s21 =	simm.s32 @!p1 $0x0;
	v15 =	vmul.f32 v29, v2  }
0x2c: {  	v17 =	vld [tilespmem:s18+$0x200];
	s19 =	simm.f32 $1.000000000e+00;
	p0 =	sgt.u32 s20, $0xFFF;
	v14 =	vmul.f32 v29, v0;
	v3 =	vmov s21;
	v16 =	vmul.f32 v29, v1  }
0x2d: {  	s19 =	simm.s32 @!p0 $0x0;
	v11 =	vld [tilespmem:s18+$0x80];
	v5 =	vadd.f32 v5, v12;
	v18 =	vmul.f32 v29, v3;
	v15 =	vadd.f32 v15, v28  }
0x2e: {  	v4 =	vmov s19;
	v14 =	vadd.f32 v14, v28;
	v12 =	vadd.f32 v16, v28;
	v16 =	vld [tilespmem:s18+$0x8200]  }
0x2f: {  	v19 =	vmul.f32 v29, v4;
	v18 =	vadd.f32 v18, v28;
	v10 =	vadd.f32 v10, v15  }
0x30: {  	v7 =	vadd.f32 v13, v7;
	v9 =	vadd.f32 v9, v14  }
0x31: {  	v13 =	vadd.f32 v19, v28;
	v5 =	vadd.f32 v5, v18;
	[tilespmem:s18+$0x300] =	vst v10  }
0x32: {  	v8 =	vadd.f32 v8, v11;
	v7 =	vadd.f32 v12, v7;
	[tilespmem:s18+$0x180] =	vst v9  }
0x33: {  	v6 =	vadd.f32 v6, v13;
	v9 =	vadd.f32 v16, v17;
	[tilespmem:s18+$0x280] =	vst v5  }
0x34: {  	[tilespmem:s18+$0x0] =	vst v7;
	v5 =	vadd.f32 v8, v13  }
0x35: {  	s26 =	sand.u32 $0xFFFFFC00, s17;
	[tilespmem:s18+$0x100] =	vst v6;
	v6 =	vadd.f32 v9, v13  }
0x36: {  	s19 =	sadd.s32 $0x0, s26;
	[tilespmem:s18+$0x80] =	vst v5  }
0x37: {  	s28 =	sor.u32 $0x380, s19;
	[tilespmem:s18+$0x200] =	vst v6  }
0x38: {  	v6 =	vld [tilespmem:s28+$0x0]  }
0x39: {  	p0 =	sgt.u32 s20, $0xFF9;
	s22 =	simm.f32 $1.000000000e+00;
	v7 =	vld [tilespmem:s28+$0x8000]  }
0x3a: {  	s22 =	simm.s32 @!p0 $0x0  }
0x3b: {  	v5 =	vmov s22  }
0x3c: {  	v8 =	vmul.f32 v29, v5;
	_ =	sdelay $0x1  }
0x3d: {  	v8 =	vadd.f32 v8, v28;
	v6 =	vadd.f32 v7, v6;
	_ =	sdelay $0x1  }
0x3e: {  	v6 =	vadd.f32 v6, v8;
	_ =	sdelay $0x1  }
0x3f: {  	s29 =	sor.u32 $0x2000, s18;
	[tilespmem:s28+$0x0] =	vst v6  }
0x40: {  	v6 =	vld [tilespmem:s29+$0x0]  }
0x41: {  	v7 =	vld [tilespmem:s18+$0xA000];
	_ =	sdelay $0x4  }
0x42: {  	v6 =	vadd.f32 v7, v6;
	_ =	sdelay $0x1  }
0x43: {  	v6 =	vadd.f32 v6, v13  }
0x44: {  	s30 =	sor.u32 $0x2080, s18  }
0x45: {  	v7 =	vld [tilespmem:s30+$0x0];
	[tilespmem:s29+$0x0] =	vst v6  }
0x46: {  	p0 =	sgt.u32 s20, $0xFF7;
	s21 =	simm.f32 $1.000000000e+00;
	v8 =	vld [tilespmem:s18+$0xA080]  }
0x47: {  	s21 =	simm.s32 @!p0 $0x0  }
0x48: {  	v6 =	vmov s21  }
0x49: {  	v9 =	vmul.f32 v29, v6;
	_ =	sdelay $0x1  }
0x4a: {  	v9 =	vadd.f32 v9, v28;
	v7 =	vadd.f32 v8, v7;
	_ =	sdelay $0x1  }
0x4b: {  	v7 =	vadd.f32 v7, v9  }
0x4c: {  	s31 =	sor.u32 $0x2100, s18  }
0x4d: {  	v8 =	vld [tilespmem:s31+$0x0];
	[tilespmem:s30+$0x0] =	vst v7  }
0x4e: {  	p0 =	sgt.u32 s20, $0xFF6;
	s22 =	simm.f32 $1.000000000e+00;
	v9 =	vld [tilespmem:s18+$0xA100]  }
0x4f: {  	s22 =	simm.s32 @!p0 $0x0  }
0x50: {  	v7 =	vmov s22  }
0x51: {  	v10 =	vmul.f32 v29, v7;
	_ =	sdelay $0x1  }
0x52: {  	v10 =	vadd.f32 v10, v28;
	v8 =	vadd.f32 v9, v8;
	_ =	sdelay $0x1  }
0x53: {  	v8 =	vadd.f32 v8, v10  }
0x54: {  	s23 =	sor.u32 $0x2180, s18  }
0x55: {  	v9 =	vld [tilespmem:s23+$0x0];
	[tilespmem:s31+$0x0] =	vst v8  }
0x56: {  	p0 =	sgt.u32 s20, $0xFF5;
	s21 =	simm.f32 $1.000000000e+00;
	v10 =	vld [tilespmem:s18+$0xA180]  }
0x57: {  	s21 =	simm.s32 @!p0 $0x0  }
0x58: {  	v8 =	vmov s21  }
0x59: {  	v11 =	vmul.f32 v29, v8;
	_ =	sdelay $0x1  }
0x5a: {  	v11 =	vadd.f32 v11, v28;
	v9 =	vadd.f32 v10, v9;
	_ =	sdelay $0x1  }
0x5b: {  	v9 =	vadd.f32 v9, v11  }
0x5c: {  	s24 =	sor.u32 $0x2200, s18  }
0x5d: {  	v10 =	vld [tilespmem:s24+$0x0];
	[tilespmem:s23+$0x0] =	vst v9  }
0x5e: {  	p0 =	sgt.u32 s20, $0xFF4;
	s22 =	simm.f32 $1.000000000e+00;
	v11 =	vld [tilespmem:s18+$0xA200]  }
0x5f: {  	s22 =	simm.s32 @!p0 $0x0  }
0x60: {  	v9 =	vmov s22  }
0x61: {  	v12 =	vmul.f32 v29, v9;
	_ =	sdelay $0x1  }
0x62: {  	v12 =	vadd.f32 v12, v28;
	v10 =	vadd.f32 v11, v10;
	_ =	sdelay $0x1  }
0x63: {  	v10 =	vadd.f32 v10, v12  }
0x64: {  	s25 =	sor.u32 $0x2280, s18  }
0x65: {  	v11 =	vld [tilespmem:s25+$0x0];
	[tilespmem:s24+$0x0] =	vst v10  }
0x66: {  	p0 =	sgt.u32 s20, $0xFF3;
	s21 =	simm.f32 $1.000000000e+00;
	v12 =	vld [tilespmem:s18+$0xA280]  }
0x67: {  	s21 =	simm.s32 @!p0 $0x0  }
0x68: {  	v10 =	vmov s21  }
0x69: {  	v14 =	vmul.f32 v29, v10;
	_ =	sdelay $0x1  }
0x6a: {  	v14 =	vadd.f32 v14, v28;
	v11 =	vadd.f32 v12, v11;
	_ =	sdelay $0x1  }
0x6b: {  	v11 =	vadd.f32 v11, v14  }
0x6c: {  	s26 =	sor.u32 $0x2300, s18  }
0x6d: {  	v12 =	vld [tilespmem:s26+$0x0];
	[tilespmem:s25+$0x0] =	vst v11  }
0x6e: {  	p0 =	sgt.u32 s20, $0xFF2;
	s22 =	simm.f32 $1.000000000e+00;
	v14 =	vld [tilespmem:s18+$0xA300]  }
0x6f: {  	s22 =	simm.s32 @!p0 $0x0  }
0x70: {  	v11 =	vmov s22  }
0x71: {  	v15 =	vmul.f32 v29, v11;
	_ =	sdelay $0x1  }
0x72: {  	v15 =	vadd.f32 v15, v28;
	v12 =	vadd.f32 v14, v12;
	_ =	sdelay $0x1  }
0x73: {  	v12 =	vadd.f32 v12, v15;
	_ =	sdelay $0x1  }
0x74: {  	s28 =	sor.u32 $0x2380, s19;
	[tilespmem:s26+$0x0] =	vst v12  }
0x75: {  	v14 =	vld [tilespmem:s28+$0x0]  }
0x76: {  	p0 =	sgt.u32 s20, $0xFF1;
	s22 =	simm.f32 $1.000000000e+00;
	v15 =	vld [tilespmem:s28+$0x8000]  }
0x77: {  	s22 =	simm.s32 @!p0 $0x0  }
0x78: {  	v12 =	vmov s22  }
0x79: {  	v16 =	vmul.f32 v29, v12;
	_ =	sdelay $0x1  }
0x7a: {  	v16 =	vadd.f32 v16, v28;
	v14 =	vadd.f32 v15, v14;
	_ =	sdelay $0x1  }
0x7b: {  	v14 =	vadd.f32 v14, v16;
	_ =	sdelay $0x1  }
0x7c: {  	s29 =	sor.u32 $0x4000, s18;
	[tilespmem:s28+$0x0] =	vst v14  }
0x7d: {  	v14 =	vld [tilespmem:s29+$0x0]  }
0x7e: {  	v15 =	vld [tilespmem:s18+$0xC000];
	_ =	sdelay $0x4  }
0x7f: {  	v14 =	vadd.f32 v15, v14;
	_ =	sdelay $0x1  }
0x80: {  	v13 =	vadd.f32 v14, v13  }
0x81: {  	s30 =	sor.u32 $0x4080, s18  }
0x82: {  	v14 =	vld [tilespmem:s30+$0x0];
	[tilespmem:s29+$0x0] =	vst v13  }
0x83: {  	s21 =	simm.f32 $1.000000000e+00;
	p0 =	sgt.u32 s20, $0xFEF;
	v15 =	vld [tilespmem:s18+$0xC080]  }
0x84: {  	s21 =	simm.s32 @!p0 $0x0  }
0x85: {  	v13 =	vmov s21  }
0x86: {  	v16 =	vmul.f32 v29, v13;
	_ =	sdelay $0x1  }
0x87: {  	v16 =	vadd.f32 v16, v28;
	v14 =	vadd.f32 v15, v14;
	_ =	sdelay $0x1  }
0x88: {  	v14 =	vadd.f32 v14, v16  }
0x89: {  	s31 =	sor.u32 $0x4100, s18  }
0x8a: {  	v15 =	vld [tilespmem:s31+$0x0];
	[tilespmem:s30+$0x0] =	vst v14  }
0x8b: {  	p0 =	sgt.u32 s20, $0xFEE;
	s22 =	simm.f32 $1.000000000e+00;
	v16 =	vld [tilespmem:s18+$0xC100]  }
0x8c: {  	s22 =	simm.s32 @!p0 $0x0  }
0x8d: {  	v14 =	vmov s22  }
0x8e: {  	v17 =	vmul.f32 v29, v14;
	_ =	sdelay $0x1  }
0x8f: {  	v17 =	vadd.f32 v17, v28;
	v15 =	vadd.f32 v16, v15;
	_ =	sdelay $0x1  }
0x90: {  	v15 =	vadd.f32 v15, v17  }
0x91: {  	s23 =	sor.u32 $0x4180, s18  }
0x92: {  	v16 =	vld [tilespmem:s23+$0x0];
	[tilespmem:s31+$0x0] =	vst v15  }
0x93: {  	p0 =	sgt.u32 s20, $0xFED;
	s21 =	simm.f32 $1.000000000e+00;
	v17 =	vld [tilespmem:s18+$0xC180]  }
0x94: {  	s21 =	simm.s32 @!p0 $0x0  }
0x95: {  	v15 =	vmov s21  }
0x96: {  	v18 =	vmul.f32 v29, v15;
	_ =	sdelay $0x1  }
0x97: {  	v18 =	vadd.f32 v18, v28;
	v16 =	vadd.f32 v17, v16;
	_ =	sdelay $0x1  }
0x98: {  	v16 =	vadd.f32 v16, v18  }
0x99: {  	s24 =	sor.u32 $0x4200, s18  }
0x9a: {  	v17 =	vld [tilespmem:s24+$0x0];
	[tilespmem:s23+$0x0] =	vst v16  }
0x9b: {  	p0 =	sgt.u32 s20, $0xFEC;
	s22 =	simm.f32 $1.000000000e+00;
	v18 =	vld [tilespmem:s18+$0xC200]  }
0x9c: {  	s22 =	simm.s32 @!p0 $0x0  }
0x9d: {  	v16 =	vmov s22  }
0x9e: {  	v19 =	vmul.f32 v29, v16;
	_ =	sdelay $0x1  }
0x9f: {  	v19 =	vadd.f32 v19, v28;
	v17 =	vadd.f32 v18, v17;
	_ =	sdelay $0x1  }
0xa0: {  	v17 =	vadd.f32 v17, v19  }
0xa1: {  	s25 =	sor.u32 $0x4280, s18  }
0xa2: {  	v18 =	vld [tilespmem:s25+$0x0];
	[tilespmem:s24+$0x0] =	vst v17  }
0xa3: {  	p0 =	sgt.u32 s20, $0xFEB;
	s21 =	simm.f32 $1.000000000e+00;
	v19 =	vld [tilespmem:s18+$0xC280]  }
0xa4: {  	s21 =	simm.s32 @!p0 $0x0  }
0xa5: {  	v17 =	vmov s21  }
0xa6: {  	v20 =	vmul.f32 v29, v17;
	_ =	sdelay $0x1  }
0xa7: {  	v20 =	vadd.f32 v20, v28;
	v18 =	vadd.f32 v19, v18;
	_ =	sdelay $0x1  }
0xa8: {  	v18 =	vadd.f32 v18, v20  }
0xa9: {  	s26 =	sor.u32 $0x4300, s18  }
0xaa: {  	v19 =	vld [tilespmem:s26+$0x0];
	[tilespmem:s25+$0x0] =	vst v18  }
0xab: {  	p0 =	sgt.u32 s20, $0xFEA;
	s22 =	simm.f32 $1.000000000e+00;
	v20 =	vld [tilespmem:s18+$0xC300]  }
0xac: {  	s22 =	simm.s32 @!p0 $0x0  }
0xad: {  	v18 =	vmov s22  }
0xae: {  	v21 =	vmul.f32 v29, v18;
	_ =	sdelay $0x1  }
0xaf: {  	v21 =	vadd.f32 v21, v28;
	v19 =	vadd.f32 v20, v19;
	_ =	sdelay $0x1  }
0xb0: {  	v19 =	vadd.f32 v19, v21;
	_ =	sdelay $0x1  }
0xb1: {  	s28 =	sor.u32 $0x4380, s19;
	[tilespmem:s26+$0x0] =	vst v19  }
0xb2: {  	v20 =	vld [tilespmem:s28+$0x0]  }
0xb3: {  	p0 =	sgt.u32 s20, $0xFE9;
	s22 =	simm.f32 $1.000000000e+00;
	v21 =	vld [tilespmem:s28+$0x8000]  }
0xb4: {  	s22 =	simm.s32 @!p0 $0x0  }
0xb5: {  	v19 =	vmov s22  }
0xb6: {  	v22 =	vmul.f32 v29, v19;
	_ =	sdelay $0x1  }
0xb7: {  	v22 =	vadd.f32 v22, v28;
	v20 =	vadd.f32 v21, v20;
	_ =	sdelay $0x1  }
0xb8: {  	v20 =	vadd.f32 v20, v22;
	_ =	sdelay $0x1  }
0xb9: {  	s29 =	sor.u32 $0x6000, s18;
	[tilespmem:s28+$0x0] =	vst v20  }
0xba: {  	v21 =	vld [tilespmem:s29+$0x0]  }
0xbb: {  	p0 =	sgt.u32 s20, $0xFE8;
	s22 =	simm.f32 $1.000000000e+00;
	v22 =	vld [tilespmem:s18+$0xE000]  }
0xbc: {  	s22 =	simm.s32 @!p0 $0x0  }
0xbd: {  	v20 =	vmov s22  }
0xbe: {  	v23 =	vmul.f32 v29, v20;
	_ =	sdelay $0x1  }
0xbf: {  	v23 =	vadd.f32 v23, v28;
	v21 =	vadd.f32 v22, v21;
	_ =	sdelay $0x1  }
0xc0: {  	v21 =	vadd.f32 v21, v23  }
0xc1: {  	s30 =	sor.u32 $0x6080, s18  }
0xc2: {  	v22 =	vld [tilespmem:s30+$0x0];
	[tilespmem:s29+$0x0] =	vst v21  }
0xc3: {  	s21 =	simm.f32 $1.000000000e+00;
	p0 =	sgt.u32 s20, $0xFE7;
	v23 =	vld [tilespmem:s18+$0xE080]  }
0xc4: {  	s21 =	simm.s32 @!p0 $0x0  }
0xc5: {  	v21 =	vmov s21  }
0xc6: {  	v24 =	vmul.f32 v29, v21;
	_ =	sdelay $0x1  }
0xc7: {  	v24 =	vadd.f32 v24, v28;
	v22 =	vadd.f32 v23, v22;
	_ =	sdelay $0x1  }
0xc8: {  	v22 =	vadd.f32 v22, v24  }
0xc9: {  	s31 =	sor.u32 $0x6100, s18  }
0xca: {  	v23 =	vld [tilespmem:s31+$0x0];
	[tilespmem:s30+$0x0] =	vst v22  }
0xcb: {  	p0 =	sgt.u32 s20, $0xFE6;
	s22 =	simm.f32 $1.000000000e+00;
	v24 =	vld [tilespmem:s18+$0xE100]  }
0xcc: {  	s22 =	simm.s32 @!p0 $0x0  }
0xcd: {  	v22 =	vmov s22  }
0xce: {  	v25 =	vmul.f32 v29, v22;
	_ =	sdelay $0x1  }
0xcf: {  	v25 =	vadd.f32 v25, v28;
	v23 =	vadd.f32 v24, v23;
	_ =	sdelay $0x1  }
0xd0: {  	v23 =	vadd.f32 v23, v25  }
0xd1: {  	s23 =	sor.u32 $0x6180, s18  }
0xd2: {  	v25 =	vld [tilespmem:s23+$0x0];
	[tilespmem:s31+$0x0] =	vst v23  }
0xd3: {  	p0 =	sgt.u32 s20, $0xFE5;
	s21 =	simm.f32 $1.000000000e+00;
	v26 =	vld [tilespmem:s18+$0xE180]  }
0xd4: {  	s21 =	simm.s32 @!p0 $0x0  }
0xd5: {  	p1 =	sgt.u32 s20, $0xFE3;
	p0 =	sgt.u32 s20, $0xFE4;
	s22 =	simm.f32 $1.000000000e+00;
	v23 =	vmov s21  }
0xd6: {  	s22 =	simm.s32 @!p1 $0x0;
	p1 =	sgt.u32 s20, $0xFE1;
	s21 =	simm.f32 $1.000000000e+00;
	v27 =	vmul.f32 v29, v23  }
0xd7: {  	s21 =	simm.s32 @!p0 $0x0;
	p0 =	sgt.u32 s20, $0xFE2;
	s20 =	simm.f32 $1.000000000e+00  }
0xd8: {  	s24 =	simm.f32 $1.000000000e+00;
	v24 =	vmov s21;
	s20 =	simm.s32 @!p1 $0x0;
	v30 =	vadd.f32 v27, v28;
	v31 =	vadd.f32 v26, v25  }
0xd9: {  	s24 =	simm.s32 @!p0 $0x0;
	v27 =	vmov s20;
	v32 =	vmul.f32 v29, v24;
	v25 =	vmov s22  }
0xda: {  	v26 =	vmov s24;
	v33 =	vmul.f32 v29, v25;
	v34 =	vadd.f32 v31, v30  }
0xdb: {  	v36 =	vmul.f32 v29, v27;
	s22 =	sor.u32 $0x6200, s18;
	v35 =	vmul.f32 v29, v26  }
0xdc: {  	v31 =	vadd.f32 v32, v28;
	v32 =	vld [tilespmem:s22+$0x0];
	v30 =	vadd.f32 v33, v28;
	[tilespmem:s23+$0x0] =	vst v34  }
0xdd: {  	s20 =	simm.s32 $0x80;
	v29 =	vadd.f32 v35, v28;
	v28 =	vadd.f32 v36, v28;
	v33 =	vld [tilespmem:s18+$0xE200]  }
.LBB2_3:
0xde: {  	_ =	sdelay $0x1  }
0xdf: {  	p0 =	sne.s32 s20, $0x1F80  }
0xe0: {  	s17 =	sadd.s32 $0x10, s17;
	s21 =	smov.u32 s20;
	s20 =	sadd.s32 $0x80, s20  }
0xe1: {  	v32 =	vadd.f32 v33, v32;
	_ =	sdelay $0x1  }
0xe2: {  	v31 =	vadd.f32 v32, v31  }
0xe3: {  	s23 =	sor.u32 $0x6280, s18  }
0xe4: {  	[tilespmem:s22+$0x0] =	vst v31;
	v31 =	vld [tilespmem:s23+$0x0]  }
0xe5: {  	v32 =	vld [tilespmem:s18+$0xE280];
	_ =	sdelay $0x4  }
0xe6: {  	v31 =	vadd.f32 v32, v31;
	_ =	sdelay $0x1  }
0xe7: {  	v30 =	vadd.f32 v31, v30  }
0xe8: {  	s22 =	sor.u32 $0x6300, s18  }
0xe9: {  	[tilespmem:s23+$0x0] =	vst v30;
	v30 =	vld [tilespmem:s22+$0x0]  }
0xea: {  	v31 =	vld [tilespmem:s18+$0xE300]  }
0xeb: {  	s18 =	sand.u32 $0x7FFFFC00, s21  }
0xec: {  	s23 =	sand.u32 $0x70, s17;
	s24 =	sshrl.u32 s18, $0x2  }
0xed: {  	s24 =	sor.u32 s23, s24  }
0xee: {  	s25 =	sadd.s32 $0x10000, s24  }
0xef: {  	v30 =	vadd.f32 v31, v30;
	_ =	sdelay $0x1  }
0xf0: {  	v29 =	vadd.f32 v30, v29  }
0xf1: {  	s18 =	sor.u32 s23, s18  }
0xf2: {  	s19 =	sor.u32 $0x6380, s19;
	[tilespmem:s22+$0x0] =	vst v29  }
0xf3: {  	v29 =	vld [tilespmem:s19+$0x0]  }
0xf4: {  	v30 =	vld [tilespmem:s19+$0x8000];
	_ =	sdelay $0x4  }
0xf5: {  	v29 =	vadd.f32 v30, v29;
	_ =	sdelay $0x1  }
0xf6: {  	v28 =	vadd.f32 v29, v28;
	_ =	sdelay $0x1  }
0xf7: {  	[tilespmem:s19+$0x0] =	vst v28  }
0xf8: {  	v29 =	vld [tilespmem:s18+$0x8280]  }
0xf9: {  	v30 =	vld [tilespmem:s18+$0x8300]  }
0xfa: {  	v31 =	vld [tilespmem:s18+$0x8100]  }
0xfb: {  	v28 =	vld [tilespmem:s24+$0x10000]  }
0xfc: {  	v32 =	vld [tilespmem:s25+$0x80]  }
0xfd: {  	v33 =	vld [tilespmem:s18+$0x100]  }
0xfe: {  	v34 =	vld [tilespmem:s18+$0x8080]  }
0xff: {  	v35 =	vld [tilespmem:s18+$0x8180]  }
0x100: {  	v36 =	vld [tilespmem:s18+$0x300]  }
0x101: {  	v47 =	vsub.f32 v32, v28;
	v32 =	vld [tilespmem:s18+$0x280]  }
0x102: {  	v37 =	vld [tilespmem:s18+$0x180]  }
0x103: {  	v31 =	vadd.f32 v31, v33;
	v38 =	vld [tilespmem:s18+$0x8000];
	v39 =	vmul.f32 v47, v4;
	v33 =	vmul.f32 v47, v0  }
0x104: {  	v41 =	vmul.f32 v47, v1;
	v42 =	vmul.f32 v47, v5;
	v40 =	vld [tilespmem:s18+$0x0]  }
0x105: {  	v43 =	vmul.f32 v47, v6;
	v44 =	vmul.f32 v47, v7  }
0x106: {  	v33 =	vadd.f32 v33, v28;
	v30 =	vadd.f32 v30, v36;
	v36 =	vmul.f32 v47, v2  }
0x107: {  	v29 =	vadd.f32 v29, v32;
	v32 =	vmul.f32 v47, v8;
	v35 =	vadd.f32 v35, v37;
	v37 =	vld [tilespmem:s18+$0x200]  }
0x108: {  	v46 =	vmul.f32 v47, v3;
	v41 =	vadd.f32 v41, v28;
	v36 =	vadd.f32 v36, v28;
	v45 =	vld [tilespmem:s18+$0x80]  }
0x109: {  	v38 =	vadd.f32 v38, v40;
	v33 =	vadd.f32 v35, v33;
	v35 =	vld [tilespmem:s18+$0x8200];
	v40 =	vmul.f32 v47, v9  }
0x10a: {  	v46 =	vadd.f32 v46, v28;
	v30 =	vadd.f32 v30, v36;
	v36 =	vmul.f32 v47, v10  }
0x10b: {  	v48 =	vadd.f32 v42, v28;
	v42 =	vmul.f32 v47, v11;
	v38 =	vadd.f32 v41, v38  }
0x10c: {  	v29 =	vadd.f32 v29, v46;
	v41 =	vadd.f32 v39, v28;
	[tilespmem:s18+$0x300] =	vst v30;
	v30 =	vmul.f32 v47, v12  }
0x10d: {  	v49 =	vadd.f32 v43, v28;
	v34 =	vadd.f32 v34, v45;
	[tilespmem:s18+$0x180] =	vst v33;
	v33 =	vmul.f32 v47, v13  }
0x10e: {  	v31 =	vadd.f32 v31, v41;
	v35 =	vadd.f32 v35, v37;
	[tilespmem:s18+$0x280] =	vst v29;
	v29 =	vmul.f32 v47, v14  }
0x10f: {  	v50 =	vadd.f32 v44, v28;
	v37 =	vmul.f32 v47, v15;
	[tilespmem:s18+$0x0] =	vst v38;
	v34 =	vadd.f32 v34, v41  }
0x110: {  	s19 =	sand.u32 $0xFFFFFC00, s21;
	v51 =	vadd.f32 v32, v28;
	v32 =	vmul.f32 v47, v16;
	[tilespmem:s18+$0x100] =	vst v31;
	v31 =	vadd.f32 v35, v41  }
0x111: {  	s19 =	sadd.s32 s19, s17;
	v52 =	vadd.f32 v40, v28;
	v46 =	vadd.f32 v36, v28;
	[tilespmem:s18+$0x80] =	vst v34;
	v34 =	vmul.f32 v47, v17  }
0x112: {  	s21 =	sor.u32 $0x380, s19;
	v45 =	vadd.f32 v42, v28;
	v44 =	vadd.f32 v30, v28;
	v30 =	vmul.f32 v47, v18;
	[tilespmem:s18+$0x200] =	vst v31  }
0x113: {  	v43 =	vadd.f32 v33, v28;
	v42 =	vadd.f32 v29, v28;
	v29 =	vmul.f32 v47, v19;
	v31 =	vld [tilespmem:s21+$0x0]  }
0x114: {  	v39 =	vadd.f32 v32, v28;
	v32 =	vmul.f32 v47, v20;
	v40 =	vadd.f32 v37, v28;
	v53 =	vld [tilespmem:s21+$0x8000]  }
0x115: {  	v37 =	vadd.f32 v30, v28;
	v30 =	vmul.f32 v47, v21;
	v38 =	vadd.f32 v34, v28  }
0x116: {  	v35 =	vadd.f32 v32, v28;
	v36 =	vadd.f32 v29, v28;
	v29 =	vmul.f32 v47, v22  }
0x117: {  	v54 =	vmul.f32 v47, v24;
	v34 =	vadd.f32 v30, v28;
	v30 =	vmul.f32 v47, v23  }
0x118: {  	v55 =	vmul.f32 v47, v26;
	v33 =	vadd.f32 v29, v28;
	v29 =	vmul.f32 v47, v25  }
0x119: {  	v47 =	vmul.f32 v47, v27;
	v32 =	vadd.f32 v30, v28;
	v53 =	vadd.f32 v53, v31  }
0x11a: {  	v30 =	vadd.f32 v29, v28;
	v31 =	vadd.f32 v54, v28  }
0x11b: {  	v29 =	vadd.f32 v55, v28;
	v48 =	vadd.f32 v53, v48  }
0x11c: {  	v28 =	vadd.f32 v47, v28  }
0x11d: {  	[tilespmem:s21+$0x0] =	vst v48;
	s21 =	sor.u32 $0x2000, s18  }
0x11e: {  	v47 =	vld [tilespmem:s21+$0x0]  }
0x11f: {  	v48 =	vld [tilespmem:s18+$0xA000];
	_ =	sdelay $0x4  }
0x120: {  	v47 =	vadd.f32 v48, v47;
	_ =	sdelay $0x1  }
0x121: {  	v47 =	vadd.f32 v47, v41  }
0x122: {  	s22 =	sor.u32 $0x2080, s18  }
0x123: {  	[tilespmem:s21+$0x0] =	vst v47;
	v47 =	vld [tilespmem:s22+$0x0]  }
0x124: {  	v48 =	vld [tilespmem:s18+$0xA080];
	_ =	sdelay $0x4  }
0x125: {  	v47 =	vadd.f32 v48, v47;
	_ =	sdelay $0x1  }
0x126: {  	v47 =	vadd.f32 v47, v49  }
0x127: {  	s21 =	sor.u32 $0x2100, s18  }
0x128: {  	[tilespmem:s22+$0x0] =	vst v47;
	v47 =	vld [tilespmem:s21+$0x0]  }
0x129: {  	v48 =	vld [tilespmem:s18+$0xA100];
	_ =	sdelay $0x4  }
0x12a: {  	v47 =	vadd.f32 v48, v47;
	_ =	sdelay $0x1  }
0x12b: {  	v47 =	vadd.f32 v47, v50  }
0x12c: {  	s22 =	sor.u32 $0x2180, s18  }
0x12d: {  	[tilespmem:s21+$0x0] =	vst v47;
	v47 =	vld [tilespmem:s22+$0x0]  }
0x12e: {  	v48 =	vld [tilespmem:s18+$0xA180];
	_ =	sdelay $0x4  }
0x12f: {  	v47 =	vadd.f32 v48, v47;
	_ =	sdelay $0x1  }
0x130: {  	v47 =	vadd.f32 v47, v51  }
0x131: {  	s21 =	sor.u32 $0x2200, s18  }
0x132: {  	[tilespmem:s22+$0x0] =	vst v47;
	v47 =	vld [tilespmem:s21+$0x0]  }
0x133: {  	v48 =	vld [tilespmem:s18+$0xA200];
	_ =	sdelay $0x4  }
0x134: {  	v47 =	vadd.f32 v48, v47;
	_ =	sdelay $0x1  }
0x135: {  	v47 =	vadd.f32 v47, v52  }
0x136: {  	s22 =	sor.u32 $0x2280, s18  }
0x137: {  	[tilespmem:s21+$0x0] =	vst v47;
	v47 =	vld [tilespmem:s22+$0x0]  }
0x138: {  	v48 =	vld [tilespmem:s18+$0xA280];
	_ =	sdelay $0x4  }
0x139: {  	v47 =	vadd.f32 v48, v47;
	_ =	sdelay $0x1  }
0x13a: {  	v46 =	vadd.f32 v47, v46  }
0x13b: {  	s21 =	sor.u32 $0x2300, s18  }
0x13c: {  	[tilespmem:s22+$0x0] =	vst v46;
	v46 =	vld [tilespmem:s21+$0x0]  }
0x13d: {  	v47 =	vld [tilespmem:s18+$0xA300];
	_ =	sdelay $0x4  }
0x13e: {  	v46 =	vadd.f32 v47, v46;
	_ =	sdelay $0x1  }
0x13f: {  	v45 =	vadd.f32 v46, v45;
	_ =	sdelay $0x1  }
0x140: {  	[tilespmem:s21+$0x0] =	vst v45;
	s21 =	sor.u32 $0x2380, s19  }
0x141: {  	v45 =	vld [tilespmem:s21+$0x0]  }
0x142: {  	v46 =	vld [tilespmem:s21+$0x8000];
	_ =	sdelay $0x4  }
0x143: {  	v45 =	vadd.f32 v46, v45;
	_ =	sdelay $0x1  }
0x144: {  	v44 =	vadd.f32 v45, v44;
	_ =	sdelay $0x1  }
0x145: {  	[tilespmem:s21+$0x0] =	vst v44;
	s21 =	sor.u32 $0x4000, s18  }
0x146: {  	v44 =	vld [tilespmem:s21+$0x0]  }
0x147: {  	v45 =	vld [tilespmem:s18+$0xC000];
	_ =	sdelay $0x4  }
0x148: {  	v44 =	vadd.f32 v45, v44;
	_ =	sdelay $0x1  }
0x149: {  	v41 =	vadd.f32 v44, v41  }
0x14a: {  	s22 =	sor.u32 $0x4080, s18  }
0x14b: {  	[tilespmem:s21+$0x0] =	vst v41;
	v41 =	vld [tilespmem:s22+$0x0]  }
0x14c: {  	v44 =	vld [tilespmem:s18+$0xC080];
	_ =	sdelay $0x4  }
0x14d: {  	v41 =	vadd.f32 v44, v41;
	_ =	sdelay $0x1  }
0x14e: {  	v41 =	vadd.f32 v41, v43  }
0x14f: {  	s21 =	sor.u32 $0x4100, s18  }
0x150: {  	[tilespmem:s22+$0x0] =	vst v41;
	v41 =	vld [tilespmem:s21+$0x0]  }
0x151: {  	v43 =	vld [tilespmem:s18+$0xC100];
	_ =	sdelay $0x4  }
0x152: {  	v41 =	vadd.f32 v43, v41;
	_ =	sdelay $0x1  }
0x153: {  	v41 =	vadd.f32 v41, v42  }
0x154: {  	s22 =	sor.u32 $0x4180, s18  }
0x155: {  	[tilespmem:s21+$0x0] =	vst v41;
	v41 =	vld [tilespmem:s22+$0x0]  }
0x156: {  	v42 =	vld [tilespmem:s18+$0xC180];
	_ =	sdelay $0x4  }
0x157: {  	v41 =	vadd.f32 v42, v41;
	_ =	sdelay $0x1  }
0x158: {  	v40 =	vadd.f32 v41, v40  }
0x159: {  	s21 =	sor.u32 $0x4200, s18  }
0x15a: {  	[tilespmem:s22+$0x0] =	vst v40;
	v40 =	vld [tilespmem:s21+$0x0]  }
0x15b: {  	v41 =	vld [tilespmem:s18+$0xC200];
	_ =	sdelay $0x4  }
0x15c: {  	v40 =	vadd.f32 v41, v40;
	_ =	sdelay $0x1  }
0x15d: {  	v39 =	vadd.f32 v40, v39  }
0x15e: {  	s22 =	sor.u32 $0x4280, s18  }
0x15f: {  	[tilespmem:s21+$0x0] =	vst v39;
	v39 =	vld [tilespmem:s22+$0x0]  }
0x160: {  	v40 =	vld [tilespmem:s18+$0xC280];
	_ =	sdelay $0x4  }
0x161: {  	v39 =	vadd.f32 v40, v39;
	_ =	sdelay $0x1  }
0x162: {  	v38 =	vadd.f32 v39, v38  }
0x163: {  	s21 =	sor.u32 $0x4300, s18  }
0x164: {  	[tilespmem:s22+$0x0] =	vst v38;
	v38 =	vld [tilespmem:s21+$0x0]  }
0x165: {  	v39 =	vld [tilespmem:s18+$0xC300];
	_ =	sdelay $0x4  }
0x166: {  	v38 =	vadd.f32 v39, v38;
	_ =	sdelay $0x1  }
0x167: {  	v37 =	vadd.f32 v38, v37;
	_ =	sdelay $0x1  }
0x168: {  	[tilespmem:s21+$0x0] =	vst v37;
	s21 =	sor.u32 $0x4380, s19  }
0x169: {  	v37 =	vld [tilespmem:s21+$0x0]  }
0x16a: {  	v38 =	vld [tilespmem:s21+$0x8000];
	_ =	sdelay $0x4  }
0x16b: {  	v37 =	vadd.f32 v38, v37;
	_ =	sdelay $0x1  }
0x16c: {  	v36 =	vadd.f32 v37, v36;
	_ =	sdelay $0x1  }
0x16d: {  	[tilespmem:s21+$0x0] =	vst v36;
	s21 =	sor.u32 $0x6000, s18  }
0x16e: {  	v36 =	vld [tilespmem:s21+$0x0]  }
0x16f: {  	v37 =	vld [tilespmem:s18+$0xE000];
	_ =	sdelay $0x4  }
0x170: {  	v36 =	vadd.f32 v37, v36;
	_ =	sdelay $0x1  }
0x171: {  	v35 =	vadd.f32 v36, v35  }
0x172: {  	s22 =	sor.u32 $0x6080, s18  }
0x173: {  	[tilespmem:s21+$0x0] =	vst v35;
	v35 =	vld [tilespmem:s22+$0x0]  }
0x174: {  	v36 =	vld [tilespmem:s18+$0xE080];
	_ =	sdelay $0x4  }
0x175: {  	v35 =	vadd.f32 v36, v35;
	_ =	sdelay $0x1  }
0x176: {  	v34 =	vadd.f32 v35, v34  }
0x177: {  	s21 =	sor.u32 $0x6100, s18  }
0x178: {  	[tilespmem:s22+$0x0] =	vst v34;
	v34 =	vld [tilespmem:s21+$0x0]  }
0x179: {  	v35 =	vld [tilespmem:s18+$0xE100];
	_ =	sdelay $0x4  }
0x17a: {  	v34 =	vadd.f32 v35, v34;
	_ =	sdelay $0x1  }
0x17b: {  	v33 =	vadd.f32 v34, v33  }
0x17c: {  	s23 =	sor.u32 $0x6180, s18  }
0x17d: {  	[tilespmem:s21+$0x0] =	vst v33;
	v33 =	vld [tilespmem:s23+$0x0]  }
0x17e: {  	v34 =	vld [tilespmem:s18+$0xE180];
	_ =	sdelay $0x4  }
0x17f: {  	v33 =	vadd.f32 v34, v33  }
.Ltmp0:
0x180: {  	(pc) =	sbr.rel @p0 .LBB2_3-.Ltmp0, $4  }
0x181: {  	v32 =	vadd.f32 v33, v32  }
0x182: {  	s22 =	sor.u32 $0x6200, s18  }
0x183: {  	[tilespmem:s23+$0x0] =	vst v32;
	v32 =	vld [tilespmem:s22+$0x0]  }
0x184: {  	v33 =	vld [tilespmem:s18+$0xE200]  }
0x185: {  	_ =	sdelay $0x3  }
0x186: {  	v0 =	vadd.f32 v33, v32;
	_ =	sdelay $0x1  }
0x187: {  	v0 =	vadd.f32 v0, v31  }
0x188: {  	s17 =	sor.u32 $0x6280, s18  }
0x189: {  	v60 =	vld [tilespmem:s17+$0x0];
	[tilespmem:s22+$0x0] =	vst v0  }
0x18a: {  	v1 =	vld [tilespmem:s18+$0xE280];
	_ =	sdelay $0x4  }
0x18b: {  	v0 =	vadd.f32 v1, v60;
	_ =	sdelay $0x1  }
0x18c: {  	v0 =	vadd.f32 v0, v30  }
0x18d: {  	s20 =	sor.u32 $0x6300, s18  }
0x18e: {  	v61 =	vld [tilespmem:s20+$0x0];
	[tilespmem:s17+$0x0] =	vst v0  }
0x18f: {  	v62 =	vld [tilespmem:s18+$0xE300];
	_ =	sdelay $0x4  }
0x190: {  	v0 =	vadd.f32 v62, v61;
	_ =	sdelay $0x1  }
0x191: {  	v0 =	vadd.f32 v0, v29;
	_ =	sdelay $0x1  }
0x192: {  	s31 =	sor.u32 $0x6380, s19;
	[tilespmem:s20+$0x0] =	vst v0  }
0x193: {  	v0 =	vld [tilespmem:s31+$0x0]  }
0x194: {  	v63 =	vld [tilespmem:s31+$0x8000];
	_ =	sdelay $0x4  }
0x195: {  	v0 =	vadd.f32 v63, v0;
	_ =	sdelay $0x1  }
0x196: {  	s15 =	sadd.s32 $0x1, s15;
	v0 =	vadd.f32 v0, v28  }
0x197: {  	p0 =	sne.s32 s15, $0x20  }
.Ltmp1:
0x198: {  	s16 =	sadd.s32 s5, s16;
	[tilespmem:s31+$0x0] =	vst v0;
	(pc) =	sbr.rel @p0 .LBB2_2-.Ltmp1, $4  }
0x199: {  	[hbm4b:s16+s6] =	stream.linear.scatter [tilespmem:s6], [sflag:$0x2], $0x8000, $0x38;
	[tilespmem:$0x10800] =	vst v63  }
0x19a: {  	_ =	swait.ge [sflag:s11], $0x8000  }
0x19b: {  	[sflag:s11] =	ssyncset.done $0x0  }
0x19c: {  	[sflag:s11] =	ssyncadd.s32 $0xFFFF8000  }
0x19d: {  	s14 =	sadd.s32 $0x1, s14  }
0x19e: {  	p0 =	sne.s32 s14, s9  }
.Ltmp2:
0x19f: {  	_ = 	snop;
	(pc) =	sbr.rel @p0 .LBB2_1-.Ltmp2, $1  }
0x1a0: {  	_ =	sdelay $0x3  }
0x1a1: {  	_ =	sfence.sel $0x180000  }
0x1a2: {  	[bflag:$0x0] =	sbarrier.arrive $0xFFFF  }
0x1a3: {  	p0 =	sne.s32 s4, $0x0;
	_ =	strace $0x90000047  }
0x1a4: {  	s0 =	sadd.s32 @!p0 $0x100000, s0;
	[bflag:$0x2] =	sbarrier.arrive $0xFFFF  }
0x1a5: {  	[sflag:s0] =	ssyncadd.tile.s32 @!p0 $0x1;
	_ =	shalt  }
.Lfunc_end2:
_tile_overlayer_lowered:
.L_overlay_start_2:
0x1a6: {  	(tag) =	ssettag $0x2  }
0x1a7: {  	s0 =	rddreg [dreg:$0x0];
	s2 =	stileid.u32  }
0x1a8: {  	s1 =	rddreg [dreg:$0x1];
	p0 =	sne.s32 s2, $0x0  }
0x1a9: {  	s3 =	rddreg [dreg:$0x2];
	[bflag:$0x3] =	sbarrier.arrive $0xFFFF;
	s2 =	simm.s32 @!p0 $0x1C02  }
0x1aa: {  	[timem:s3], [sflag:s2] =	dma.local @!p0 [hbm:s0], s1  }
0x1ab: {  	s0 =	simm.s32 @!p0 $0x2  }
0x1ac: {  	_ =	swait.ge @!p0 [sflag:s0], s1  }
0x1ad: {  	s1 =	ssub.s32 @!p0 $0x0, s1;
	[sflag:s0] =	ssyncset.done @!p0 $0x0  }
0x1ae: {  	[sflag:s0] =	ssyncadd.s32 @!p0 s1  }
0x1af: {  	[bflag:$0x3] =	sbarrier.arrive $0xFFFF  }
0x1b0: {  	_ =	shalt  }

</sc_bundles>
